<compile_context>
chip_gen: v7x
topology: tpu7x:2x2x1
jax: 0.10.2.dev20260603
libtpu: 0.0.44.dev20260713+nightly
codegen_flags: <defaults>
</compile_context>

<pallas_src>
import functools

import jax
import jax.numpy as jnp
from jax import lax
from jax.experimental import pallas as pl
from jax.experimental.pallas import tpu as pltpu
from jax.experimental.pallas import tpu_sc as plsc

_NC, _NS = 2, 16
_NW = _NC * _NS
_NBUF = 4
_ECH = 1280
_NROUND = 8

_VS = 10
_VG = 5


def _edge_body(e_hbm, out_hbm, b0, b1, b2, b3, ov, s0, s1, s2, s3):
    wid = lax.axis_index("s") * _NC + lax.axis_index("c")
    bufs = (b0, b1, b2, b3)
    sems = (s0, s1, s2, s3)
    n_edges = e_hbm.shape[1]
    nch = n_edges // _ECH

    def _copy(j, slot):
        cid = wid + j * _NW
        return pltpu.make_async_copy(
            e_hbm.at[:, pl.ds(cid * _ECH, _ECH)], bufs[slot], sems[slot])

    def _valid(j):
        return wid + j * _NW < nch

    for j in range(_NBUF):
        if (j + 1) * _NW <= nch:
            _copy(j, j).start()
        else:
            @pl.when(_valid(j))
            def _():
                _copy(j, j).start()

    def _chunk_acc(buf, accs, n=_ECH // 16):
        def body(i, a):
            base = i * 16
            return tuple(a[r] + buf[r, pl.ds(base, 16)] for r in range(16))
        return lax.fori_loop(0, n, body, accs)

    accs = tuple(jnp.zeros((16,), jnp.float32) for _ in range(16))
    for j in range(_NROUND):
        slot = j % _NBUF
        buf = bufs[slot]
        if (j + 1) * _NW <= nch:
            _copy(j, slot).wait()
            accs = _chunk_acc(buf, accs)
        else:
            @pl.when(_valid(j))
            def _():
                _copy(j, slot).wait()
            n_dyn = jnp.where(_valid(j), _ECH // 16, 0)
            accs = _chunk_acc(buf, accs, n=n_dyn)
        nxt = j + _NBUF
        if nxt < _NROUND:
            if (nxt + 1) * _NW <= nch:
                _copy(nxt, slot).start()
            else:
                @pl.when(_valid(nxt))
                def _():
                    _copy(nxt, slot).start()

    for r in range(16):
        ov[r] = accs[r]
    pltpu.sync_copy(ov, out_hbm.at[wid])


def _edge_partials(edge_t):
    kern = pl.kernel(
        _edge_body,
        out_type=jax.ShapeDtypeStruct((_NW, 16, 16), jnp.float32),
        mesh=plsc.VectorSubcoreMesh(
            core_axis_name="c", subcore_axis_name="s",
            num_cores=_NC, num_subcores=_NS),
        scratch_types=(
            [pltpu.VMEM((16, _ECH), jnp.float32) for _ in range(_NBUF)]
            + [pltpu.VMEM((16, 16), jnp.float32)]
            + [pltpu.SemaphoreType.DMA for _ in range(_NBUF)]),
    )
    return kern(edge_t)


def _vertex_body(ctx_ref, *rest):
    v_refs = rest[:_VS]
    w_ref, b_ref, o_ref, vacc = rest[_VS], rest[_VS + 1], rest[_VS + 2], rest[_VS + 3]
    i = pl.program_id(0)

    @pl.when(i == 0)
    def _init():
        vacc[...] = jnp.zeros_like(vacc)

    s = jnp.sum(v_refs[0][...], axis=0, keepdims=True)
    for vr in v_refs[1:]:
        s += jnp.sum(vr[...], axis=0, keepdims=True)
    vacc[...] += s

    @pl.when(i == _VG - 1)
    def _finish():
        d_ctx = ctx_ref.shape[1]
        d_feat = vacc.shape[1]
        n_v = v_refs[0].shape[0] * _VS * _VG
        out = jnp.dot(ctx_ref[...], w_ref[0:d_ctx],
                      preferred_element_type=jnp.float32)
        out += jnp.dot(vacc[...] / n_v, w_ref[d_ctx:d_ctx + d_feat],
                       preferred_element_type=jnp.float32)
        o_ref[...] = out + b_ref[...]


def _vertex_part(context, vertex_data, W, b):
    n_verts, d_feat = vertex_data.shape
    d_ctx = context.shape[0]
    d_tot = W.shape[0]
    vr = n_verts // (_VS * _VG)

    def _vmap(j):
        return lambda i, j=j: (_VG * j + i, 0)

    return pl.pallas_call(
        _vertex_body,
        grid=(_VG,),
        in_specs=(
            [pl.BlockSpec((1, d_ctx), lambda i: (0, 0))]
            + [pl.BlockSpec((vr, d_feat), _vmap(j)) for j in range(_VS)]
            + [pl.BlockSpec((d_tot, d_ctx), lambda i: (0, 0)),
               pl.BlockSpec((1, d_ctx), lambda i: (0, 0))]),
        out_specs=pl.BlockSpec((1, d_ctx), lambda i: (0, 0)),
        out_shape=jax.ShapeDtypeStruct((1, d_ctx), jnp.float32),
        scratch_shapes=[pltpu.VMEM((1, d_feat), jnp.float32)],
    )(context.reshape(1, d_ctx), *([vertex_data] * _VS), W,
      b.reshape(1, d_ctx))


def _combine_body(pa_ref, pb_ref, w_ref, o_ref, *, n_edges, d_we0):
    d_edge = pa_ref.shape[1]
    t = jnp.sum(pa_ref[...], axis=0)
    s = jnp.sum(t, axis=1, keepdims=True) / n_edges
    o_ref[...] = pb_ref[...] + lax.dot_general(
        s, w_ref[d_we0:d_we0 + d_edge],
        dimension_numbers=(((0,), (0,)), ((), ())),
        preferred_element_type=jnp.float32)


def kernel(context, vertex_data, edge_data, W, b):
    n_edges, d_edge = edge_data.shape
    d_ctx = context.shape[0]
    d_feat = vertex_data.shape[1]
    d_tot = W.shape[0]

    pa = _edge_partials(edge_data.T)
    pb = _vertex_part(context, vertex_data, W, b)

    out = pl.pallas_call(
        functools.partial(_combine_body, n_edges=n_edges,
                          d_we0=d_ctx + d_feat),
        in_specs=[
            pl.BlockSpec((_NW, d_edge, 16), lambda: (0, 0, 0)),
            pl.BlockSpec((1, d_ctx), lambda: (0, 0)),
            pl.BlockSpec((d_tot, d_ctx), lambda: (0, 0)),
        ],
        out_specs=pl.BlockSpec((1, d_ctx), lambda: (0, 0)),
        out_shape=jax.ShapeDtypeStruct((1, d_ctx), jnp.float32),
    )(pa, pb, W)

    return out.reshape(d_ctx)

# --- scband reference (transcript-rebuilt; emitter-appended) ---
"""Pipeline reference for scband-global-block-69346541961225 (READ-ONLY COPY).

The authoritative reference and input builder live on the scoring server;
editing this copy changes nothing except your own understanding.
"""

import jax, jax.numpy as jnp
import numpy as np

N_VERTS = 10000
N_EDGES = 320000
D_FEAT = 128
D_EDGE = 16
D_CTX = 128


def setup_inputs(seed: int = 0) -> dict:
    key = jax.random.key(seed)
    k1, k2, k3, k4 = jax.random.split(key, 4)
    context = jax.random.normal(k1, (D_CTX,), dtype=jnp.float32)
    vertex_data = jax.random.normal(k2, (N_VERTS, D_FEAT), dtype=jnp.float32)
    edge_data = jax.random.normal(k3, (N_EDGES, D_EDGE), dtype=jnp.float32)
    W = jax.random.normal(k4, (D_CTX + D_FEAT + D_EDGE, D_CTX), dtype=jnp.float32) * 0.02
    b = jnp.zeros((D_CTX,), dtype=jnp.float32)
    return {"context": context, "vertex_data": vertex_data, "edge_data": edge_data, "W": W, "b": b}


def reference(context, vertex_data, edge_data, W, b):
    # GlobalBlock (non-independent): aggregate all vertex features and all edge
    # features with mean aggregators, concatenate with the global context vector,
    # then apply the updater (a Linear layer) to produce the new context.
    v_agg = jnp.mean(vertex_data, axis=0)  # vertex aggregator over all vertices -> [D_FEAT]
    e_agg = jnp.mean(edge_data, axis=0)    # edge aggregator over all edges     -> [D_EDGE]
    upd_input = jnp.concatenate([context, v_agg, e_agg], axis=0)  # [D_CTX + D_FEAT + D_EDGE]
    out = upd_input @ W + b  # updater Linear -> [D_CTX]
    return out

if __name__ == "__main__":
    import jax
    _d = setup_inputs()
    print(jax.jit(kernel)(*tuple(_d.values())))

</pallas_src>

<mosaic_0001>
#map = affine_map<(d0, d1) -> (0, 0)>
#map1 = affine_map<(d0, d1) -> (0, 0, 0)>
module attributes {stable_mosaic.version = 14 : i64} {
  func.func @_edge_body(%arg0: i32, %arg1: i32, %arg2: memref<16x320000xf32, #tpu.memory_space<hbm>>, %arg3: memref<32x16x16xf32, #tpu.memory_space<hbm>>, %arg4: memref<16x1280xf32, #tpu.memory_space<vmem>>, %arg5: memref<16x1280xf32, #tpu.memory_space<vmem>>, %arg6: memref<16x1280xf32, #tpu.memory_space<vmem>>, %arg7: memref<16x1280xf32, #tpu.memory_space<vmem>>, %arg8: memref<16x16xf32, #tpu.memory_space<vmem>>, %arg9: memref<!tpu.dma_semaphore, #tpu.memory_space<semaphore_mem>>, %arg10: memref<!tpu.dma_semaphore, #tpu.memory_space<semaphore_mem>>, %arg11: memref<!tpu.dma_semaphore, #tpu.memory_space<semaphore_mem>>, %arg12: memref<!tpu.dma_semaphore, #tpu.memory_space<semaphore_mem>>) attributes {dimension_semantics = [#tpu.dimension_semantics<core_parallel>, #tpu.dimension_semantics<subcore_parallel>], iteration_bounds = array<i64: 2, 16>, scalar_prefetch = 0 : i64, scratch_operands = 9 : i64, tpu.core_type = #tpu.core_type<sc_vector_subcore>, window_params = [{transform_indices = #map}, {transform_indices = #map1}]} {
    %mul3A = arith.constant 2 : i32
    %mul3A_0 = arith.muli %arg1, %mul3A : i32
    %add3A = arith.addi %mul3A_0, %arg0 : i32
    %add3A_1 = arith.constant 0 : i32
    %add3A_2 = arith.addi %add3A, %add3A_1 : i32
    %mul3A_3 = arith.constant 1280 : i32
    %mul3A_4 = arith.muli %add3A_2, %mul3A_3 : i32
    %dma_start3A = arith.constant 0 : i32
    %dma_start3A_5 = tpu.memref_slice %arg2[%dma_start3A, %mul3A_4] : memref<16x320000xf32, #tpu.memory_space<hbm>> -> memref<16x1280xf32, #tpu.memory_space<hbm>>
    %dma_start3A_6 = arith.constant 0 : i32
    %dma_start3A_7 = tpu.memref_slice %arg2[%dma_start3A_6, %mul3A_4] : memref<16x320000xf32, #tpu.memory_space<hbm>> -> memref<16x1280xf32, #tpu.memory_space<hbm>>
    tpu.enqueue_dma source(%dma_start3A_7 : memref<16x1280xf32, #tpu.memory_space<hbm>>) target(%arg4 : memref<16x1280xf32, #tpu.memory_space<vmem>>) target_semaphore(%arg9 : memref<!tpu.dma_semaphore, #tpu.memory_space<semaphore_mem>>)
    %add3A_8 = arith.constant 32 : i32
    %add3A_9 = arith.addi %add3A, %add3A_8 : i32
    %mul3A_10 = arith.constant 1280 : i32
    %mul3A_11 = arith.muli %add3A_9, %mul3A_10 : i32
    %dma_start3A_12 = arith.constant 0 : i32
    %dma_start3A_13 = tpu.memref_slice %arg2[%dma_start3A_12, %mul3A_11] : memref<16x320000xf32, #tpu.memory_space<hbm>> -> memref<16x1280xf32, #tpu.memory_space<hbm>>
    %dma_start3A_14 = arith.constant 0 : i32
    %dma_start3A_15 = tpu.memref_slice %arg2[%dma_start3A_14, %mul3A_11] : memref<16x320000xf32, #tpu.memory_space<hbm>> -> memref<16x1280xf32, #tpu.memory_space<hbm>>
    tpu.enqueue_dma source(%dma_start3A_15 : memref<16x1280xf32, #tpu.memory_space<hbm>>) target(%arg5 : memref<16x1280xf32, #tpu.memory_space<vmem>>) target_semaphore(%arg10 : memref<!tpu.dma_semaphore, #tpu.memory_space<semaphore_mem>>)
    %add3A_16 = arith.constant 64 : i32
    %add3A_17 = arith.addi %add3A, %add3A_16 : i32
    %mul3A_18 = arith.constant 1280 : i32
    %mul3A_19 = arith.muli %add3A_17, %mul3A_18 : i32
    %dma_start3A_20 = arith.constant 0 : i32
    %dma_start3A_21 = tpu.memref_slice %arg2[%dma_start3A_20, %mul3A_19] : memref<16x320000xf32, #tpu.memory_space<hbm>> -> memref<16x1280xf32, #tpu.memory_space<hbm>>
    %dma_start3A_22 = arith.constant 0 : i32
    %dma_start3A_23 = tpu.memref_slice %arg2[%dma_start3A_22, %mul3A_19] : memref<16x320000xf32, #tpu.memory_space<hbm>> -> memref<16x1280xf32, #tpu.memory_space<hbm>>
    tpu.enqueue_dma source(%dma_start3A_23 : memref<16x1280xf32, #tpu.memory_space<hbm>>) target(%arg6 : memref<16x1280xf32, #tpu.memory_space<vmem>>) target_semaphore(%arg11 : memref<!tpu.dma_semaphore, #tpu.memory_space<semaphore_mem>>)
    %add3A_24 = arith.constant 96 : i32
    %add3A_25 = arith.addi %add3A, %add3A_24 : i32
    %mul3A_26 = arith.constant 1280 : i32
    %mul3A_27 = arith.muli %add3A_25, %mul3A_26 : i32
    %dma_start3A_28 = arith.constant 0 : i32
    %dma_start3A_29 = tpu.memref_slice %arg2[%dma_start3A_28, %mul3A_27] : memref<16x320000xf32, #tpu.memory_space<hbm>> -> memref<16x1280xf32, #tpu.memory_space<hbm>>
    %dma_start3A_30 = arith.constant 0 : i32
    %dma_start3A_31 = tpu.memref_slice %arg2[%dma_start3A_30, %mul3A_27] : memref<16x320000xf32, #tpu.memory_space<hbm>> -> memref<16x1280xf32, #tpu.memory_space<hbm>>
    tpu.enqueue_dma source(%dma_start3A_31 : memref<16x1280xf32, #tpu.memory_space<hbm>>) target(%arg7 : memref<16x1280xf32, #tpu.memory_space<vmem>>) target_semaphore(%arg12 : memref<!tpu.dma_semaphore, #tpu.memory_space<semaphore_mem>>)
    %broadcast_in_dim3A = arith.constant 0.000000e+00 : f32
    %broadcast_in_dim3A_32 = vector.broadcast %broadcast_in_dim3A : f32 to vector<16xf32>
    %broadcast_in_dim3A_33 = arith.constant 0.000000e+00 : f32
    %broadcast_in_dim3A_34 = vector.broadcast %broadcast_in_dim3A_33 : f32 to vector<16xf32>
    %broadcast_in_dim3A_35 = arith.constant 0.000000e+00 : f32
    %broadcast_in_dim3A_36 = vector.broadcast %broadcast_in_dim3A_35 : f32 to vector<16xf32>
    %broadcast_in_dim3A_37 = arith.constant 0.000000e+00 : f32
    %broadcast_in_dim3A_38 = vector.broadcast %broadcast_in_dim3A_37 : f32 to vector<16xf32>
    %broadcast_in_dim3A_39 = arith.constant 0.000000e+00 : f32
    %broadcast_in_dim3A_40 = vector.broadcast %broadcast_in_dim3A_39 : f32 to vector<16xf32>
    %broadcast_in_dim3A_41 = arith.constant 0.000000e+00 : f32
    %broadcast_in_dim3A_42 = vector.broadcast %broadcast_in_dim3A_41 : f32 to vector<16xf32>
    %broadcast_in_dim3A_43 = arith.constant 0.000000e+00 : f32
    %broadcast_in_dim3A_44 = vector.broadcast %broadcast_in_dim3A_43 : f32 to vector<16xf32>
    %broadcast_in_dim3A_45 = arith.constant 0.000000e+00 : f32
    %broadcast_in_dim3A_46 = vector.broadcast %broadcast_in_dim3A_45 : f32 to vector<16xf32>
    %broadcast_in_dim3A_47 = arith.constant 0.000000e+00 : f32
    %broadcast_in_dim3A_48 = vector.broadcast %broadcast_in_dim3A_47 : f32 to vector<16xf32>
    %broadcast_in_dim3A_49 = arith.constant 0.000000e+00 : f32
    %broadcast_in_dim3A_50 = vector.broadcast %broadcast_in_dim3A_49 : f32 to vector<16xf32>
    %broadcast_in_dim3A_51 = arith.constant 0.000000e+00 : f32
    %broadcast_in_dim3A_52 = vector.broadcast %broadcast_in_dim3A_51 : f32 to vector<16xf32>
    %broadcast_in_dim3A_53 = arith.constant 0.000000e+00 : f32
    %broadcast_in_dim3A_54 = vector.broadcast %broadcast_in_dim3A_53 : f32 to vector<16xf32>
    %broadcast_in_dim3A_55 = arith.constant 0.000000e+00 : f32
    %broadcast_in_dim3A_56 = vector.broadcast %broadcast_in_dim3A_55 : f32 to vector<16xf32>
    %broadcast_in_dim3A_57 = arith.constant 0.000000e+00 : f32
    %broadcast_in_dim3A_58 = vector.broadcast %broadcast_in_dim3A_57 : f32 to vector<16xf32>
    %broadcast_in_dim3A_59 = arith.constant 0.000000e+00 : f32
    %broadcast_in_dim3A_60 = vector.broadcast %broadcast_in_dim3A_59 : f32 to vector<16xf32>
    %broadcast_in_dim3A_61 = arith.constant 0.000000e+00 : f32
    %broadcast_in_dim3A_62 = vector.broadcast %broadcast_in_dim3A_61 : f32 to vector<16xf32>
    %add3A_63 = arith.constant 0 : i32
    %add3A_64 = arith.addi %add3A, %add3A_63 : i32
    %mul3A_65 = arith.constant 1280 : i32
    %mul3A_66 = arith.muli %add3A_64, %mul3A_65 : i32
    %dma_wait3A = arith.constant 0 : i32
    %dma_wait3A_67 = tpu.memref_slice %arg2[%dma_wait3A, %mul3A_66] : memref<16x320000xf32, #tpu.memory_space<hbm>> -> memref<16x1280xf32, #tpu.memory_space<hbm>>
    %dma_wait3A_68 = arith.constant 0 : i32
    %dma_wait3A_69 = tpu.memref_slice %arg2[%dma_wait3A_68, %mul3A_66] : memref<16x320000xf32, #tpu.memory_space<hbm>> -> memref<16x1280xf32, #tpu.memory_space<hbm>>
    tpu.wait_dma2 semaphore(%arg9 : memref<!tpu.dma_semaphore, #tpu.memory_space<semaphore_mem>>) src(%dma_wait3A_69 : memref<16x1280xf32, #tpu.memory_space<hbm>>) dst(%arg4 : memref<16x1280xf32, #tpu.memory_space<vmem>>)
    %scan3A = arith.constant 0 : i32
    %scan3A_70 = arith.constant 80 : i32
    %scan3A_71 = arith.addi %scan3A, %scan3A_70 : i32
    %scan3A_72 = arith.constant 1 : i32
    %scan3A_73:16 = scf.for %scan3A_304 = %scan3A to %scan3A_71 step %scan3A_72 iter_args(%scan3A_305 = %broadcast_in_dim3A_32, %scan3A_306 = %broadcast_in_dim3A_34, %scan3A_307 = %broadcast_in_dim3A_36, %scan3A_308 = %broadcast_in_dim3A_38, %scan3A_309 = %broadcast_in_dim3A_40, %scan3A_310 = %broadcast_in_dim3A_42, %scan3A_311 = %broadcast_in_dim3A_44, %scan3A_312 = %broadcast_in_dim3A_46, %scan3A_313 = %broadcast_in_dim3A_48, %scan3A_314 = %broadcast_in_dim3A_50, %scan3A_315 = %broadcast_in_dim3A_52, %scan3A_316 = %broadcast_in_dim3A_54, %scan3A_317 = %broadcast_in_dim3A_56, %scan3A_318 = %broadcast_in_dim3A_58, %scan3A_319 = %broadcast_in_dim3A_60, %scan3A_320 = %broadcast_in_dim3A_62) -> (vector<16xf32>, vector<16xf32>, vector<16xf32>, vector<16xf32>, vector<16xf32>, vector<16xf32>, vector<16xf32>, vector<16xf32>, vector<16xf32>, vector<16xf32>, vector<16xf32>, vector<16xf32>, vector<16xf32>, vector<16xf32>, vector<16xf32>, vector<16xf32>)  : i32 {
      %mul3A_321 = arith.constant 16 : i32
      %mul3A_322 = arith.muli %scan3A_304, %mul3A_321 : i32
      %get3A = arith.constant 0 : i32
      %get3A_323 = arith.index_cast %get3A : i32 to index
      %get3A_324 = arith.index_cast %mul3A_322 : i32 to index
      %get3A_325 = tpu.vector_load %arg4[%get3A_323, %get3A_324] {strides = array<i32>} : memref<16x1280xf32, #tpu.memory_space<vmem>>, vector<1x16xf32>,
      %get3A_326 = vector.shape_cast %get3A_325 : vector<1x16xf32> to vector<16xf32>
      %add3A_327 = arith.addf %scan3A_305, %get3A_326 : vector<16xf32>
      %get3A_328 = arith.constant 1 : i32
      %get3A_329 = arith.index_cast %get3A_328 : i32 to index
      %get3A_330 = arith.index_cast %mul3A_322 : i32 to index
      %get3A_331 = tpu.vector_load %arg4[%get3A_329, %get3A_330] {strides = array<i32>} : memref<16x1280xf32, #tpu.memory_space<vmem>>, vector<1x16xf32>,
      %get3A_332 = vector.shape_cast %get3A_331 : vector<1x16xf32> to vector<16xf32>
      %add3A_333 = arith.addf %scan3A_306, %get3A_332 : vector<16xf32>
      %get3A_334 = arith.constant 2 : i32
      %get3A_335 = arith.index_cast %get3A_334 : i32 to index
      %get3A_336 = arith.index_cast %mul3A_322 : i32 to index
      %get3A_337 = tpu.vector_load %arg4[%get3A_335, %get3A_336] {strides = array<i32>} : memref<16x1280xf32, #tpu.memory_space<vmem>>, vector<1x16xf32>,
      %get3A_338 = vector.shape_cast %get3A_337 : vector<1x16xf32> to vector<16xf32>
      %add3A_339 = arith.addf %scan3A_307, %get3A_338 : vector<16xf32>
      %get3A_340 = arith.constant 3 : i32
      %get3A_341 = arith.index_cast %get3A_340 : i32 to index
      %get3A_342 = arith.index_cast %mul3A_322 : i32 to index
      %get3A_343 = tpu.vector_load %arg4[%get3A_341, %get3A_342] {strides = array<i32>} : memref<16x1280xf32, #tpu.memory_space<vmem>>, vector<1x16xf32>,
      %get3A_344 = vector.shape_cast %get3A_343 : vector<1x16xf32> to vector<16xf32>
      %add3A_345 = arith.addf %scan3A_308, %get3A_344 : vector<16xf32>
      %get3A_346 = arith.constant 4 : i32
      %get3A_347 = arith.index_cast %get3A_346 : i32 to index
      %get3A_348 = arith.index_cast %mul3A_322 : i32 to index
      %get3A_349 = tpu.vector_load %arg4[%get3A_347, %get3A_348] {strides = array<i32>} : memref<16x1280xf32, #tpu.memory_space<vmem>>, vector<1x16xf32>,
      %get3A_350 = vector.shape_cast %get3A_349 : vector<1x16xf32> to vector<16xf32>
      %add3A_351 = arith.addf %scan3A_309, %get3A_350 : vector<16xf32>
      %get3A_352 = arith.constant 5 : i32
      %get3A_353 = arith.index_cast %get3A_352 : i32 to index
      %get3A_354 = arith.index_cast %mul3A_322 : i32 to index
      %get3A_355 = tpu.vector_load %arg4[%get3A_353, %get3A_354] {strides = array<i32>} : memref<16x1280xf32, #tpu.memory_space<vmem>>, vector<1x16xf32>,
      %get3A_356 = vector.shape_cast %get3A_355 : vector<1x16xf32> to vector<16xf32>
      %add3A_357 = arith.addf %scan3A_310, %get3A_356 : vector<16xf32>
      %get3A_358 = arith.constant 6 : i32
      %get3A_359 = arith.index_cast %get3A_358 : i32 to index
      %get3A_360 = arith.index_cast %mul3A_322 : i32 to index
      %get3A_361 = tpu.vector_load %arg4[%get3A_359, %get3A_360] {strides = array<i32>} : memref<16x1280xf32, #tpu.memory_space<vmem>>, vector<1x16xf32>,
      %get3A_362 = vector.shape_cast %get3A_361 : vector<1x16xf32> to vector<16xf32>
      %add3A_363 = arith.addf %scan3A_311, %get3A_362 : vector<16xf32>
      %get3A_364 = arith.constant 7 : i32
      %get3A_365 = arith.index_cast %get3A_364 : i32 to index
      %get3A_366 = arith.index_cast %mul3A_322 : i32 to index
      %get3A_367 = tpu.vector_load %arg4[%get3A_365, %get3A_366] {strides = array<i32>} : memref<16x1280xf32, #tpu.memory_space<vmem>>, vector<1x16xf32>,
      %get3A_368 = vector.shape_cast %get3A_367 : vector<1x16xf32> to vector<16xf32>
      %add3A_369 = arith.addf %scan3A_312, %get3A_368 : vector<16xf32>
      %get3A_370 = arith.constant 8 : i32
      %get3A_371 = arith.index_cast %get3A_370 : i32 to index
      %get3A_372 = arith.index_cast %mul3A_322 : i32 to index
      %get3A_373 = tpu.vector_load %arg4[%get3A_371, %get3A_372] {strides = array<i32>} : memref<16x1280xf32, #tpu.memory_space<vmem>>, vector<1x16xf32>,
      %get3A_374 = vector.shape_cast %get3A_373 : vector<1x16xf32> to vector<16xf32>
      %add3A_375 = arith.addf %scan3A_313, %get3A_374 : vector<16xf32>
      %get3A_376 = arith.constant 9 : i32
      %get3A_377 = arith.index_cast %get3A_376 : i32 to index
      %get3A_378 = arith.index_cast %mul3A_322 : i32 to index
      %get3A_379 = tpu.vector_load %arg4[%get3A_377, %get3A_378] {strides = array<i32>} : memref<16x1280xf32, #tpu.memory_space<vmem>>, vector<1x16xf32>,
      %get3A_380 = vector.shape_cast %get3A_379 : vector<1x16xf32> to vector<16xf32>
      %add3A_381 = arith.addf %scan3A_314, %get3A_380 : vector<16xf32>
      %get3A_382 = arith.constant 10 : i32
      %get3A_383 = arith.index_cast %get3A_382 : i32 to index
      %get3A_384 = arith.index_cast %mul3A_322 : i32 to index
      %get3A_385 = tpu.vector_load %arg4[%get3A_383, %get3A_384] {strides = array<i32>} : memref<16x1280xf32, #tpu.memory_space<vmem>>, vector<1x16xf32>,
      %get3A_386 = vector.shape_cast %get3A_385 : vector<1x16xf32> to vector<16xf32>
      %add3A_387 = arith.addf %scan3A_315, %get3A_386 : vector<16xf32>
      %get3A_388 = arith.constant 11 : i32
      %get3A_389 = arith.index_cast %get3A_388 : i32 to index
      %get3A_390 = arith.index_cast %mul3A_322 : i32 to index
      %get3A_391 = tpu.vector_load %arg4[%get3A_389, %get3A_390] {strides = array<i32>} : memref<16x1280xf32, #tpu.memory_space<vmem>>, vector<1x16xf32>,
      %get3A_392 = vector.shape_cast %get3A_391 : vector<1x16xf32> to vector<16xf32>
      %add3A_393 = arith.addf %scan3A_316, %get3A_392 : vector<16xf32>
      %get3A_394 = arith.constant 12 : i32
      %get3A_395 = arith.index_cast %get3A_394 : i32 to index
      %get3A_396 = arith.index_cast %mul3A_322 : i32 to index
      %get3A_397 = tpu.vector_load %arg4[%get3A_395, %get3A_396] {strides = array<i32>} : memref<16x1280xf32, #tpu.memory_space<vmem>>, vector<1x16xf32>,
      %get3A_398 = vector.shape_cast %get3A_397 : vector<1x16xf32> to vector<16xf32>
      %add3A_399 = arith.addf %scan3A_317, %get3A_398 : vector<16xf32>
      %get3A_400 = arith.constant 13 : i32
      %get3A_401 = arith.index_cast %get3A_400 : i32 to index
      %get3A_402 = arith.index_cast %mul3A_322 : i32 to index
      %get3A_403 = tpu.vector_load %arg4[%get3A_401, %get3A_402] {strides = array<i32>} : memref<16x1280xf32, #tpu.memory_space<vmem>>, vector<1x16xf32>,
      %get3A_404 = vector.shape_cast %get3A_403 : vector<1x16xf32> to vector<16xf32>
      %add3A_405 = arith.addf %scan3A_318, %get3A_404 : vector<16xf32>
      %get3A_406 = arith.constant 14 : i32
      %get3A_407 = arith.index_cast %get3A_406 : i32 to index
      %get3A_408 = arith.index_cast %mul3A_322 : i32 to index
      %get3A_409 = tpu.vector_load %arg4[%get3A_407, %get3A_408] {strides = array<i32>} : memref<16x1280xf32, #tpu.memory_space<vmem>>, vector<1x16xf32>,
      %get3A_410 = vector.shape_cast %get3A_409 : vector<1x16xf32> to vector<16xf32>
      %add3A_411 = arith.addf %scan3A_319, %get3A_410 : vector<16xf32>
      %get3A_412 = arith.constant 15 : i32
      %get3A_413 = arith.index_cast %get3A_412 : i32 to index
      %get3A_414 = arith.index_cast %mul3A_322 : i32 to index
      %get3A_415 = tpu.vector_load %arg4[%get3A_413, %get3A_414] {strides = array<i32>} : memref<16x1280xf32, #tpu.memory_space<vmem>>, vector<1x16xf32>,
      %get3A_416 = vector.shape_cast %get3A_415 : vector<1x16xf32> to vector<16xf32>
      %add3A_417 = arith.addf %scan3A_320, %get3A_416 : vector<16xf32>
      scf.yield %add3A_327, %add3A_333, %add3A_339, %add3A_345, %add3A_351, %add3A_357, %add3A_363, %add3A_369, %add3A_375, %add3A_381, %add3A_387, %add3A_393, %add3A_399, %add3A_405, %add3A_411, %add3A_417 : vector<16xf32>, vector<16xf32>, vector<16xf32>, vector<16xf32>, vector<16xf32>, vector<16xf32>, vector<16xf32>, vector<16xf32>, vector<16xf32>, vector<16xf32>, vector<16xf32>, vector<16xf32>, vector<16xf32>, vector<16xf32>, vector<16xf32>, vector<16xf32>
    }
    %scan3A_74 = arith.constant 80 : i32
    %add3A_75 = arith.constant 128 : i32
    %add3A_76 = arith.addi %add3A, %add3A_75 : i32
    %mul3A_77 = arith.constant 1280 : i32
    %mul3A_78 = arith.muli %add3A_76, %mul3A_77 : i32
    %dma_start3A_79 = arith.constant 0 : i32
    %dma_start3A_80 = tpu.memref_slice %arg2[%dma_start3A_79, %mul3A_78] : memref<16x320000xf32, #tpu.memory_space<hbm>> -> memref<16x1280xf32, #tpu.memory_space<hbm>>
    %dma_start3A_81 = arith.constant 0 : i32
    %dma_start3A_82 = tpu.memref_slice %arg2[%dma_start3A_81, %mul3A_78] : memref<16x320000xf32, #tpu.memory_space<hbm>> -> memref<16x1280xf32, #tpu.memory_space<hbm>>
    tpu.enqueue_dma source(%dma_start3A_82 : memref<16x1280xf32, #tpu.memory_space<hbm>>) target(%arg4 : memref<16x1280xf32, #tpu.memory_space<vmem>>) target_semaphore(%arg9 : memref<!tpu.dma_semaphore, #tpu.memory_space<semaphore_mem>>)
    %add3A_83 = arith.constant 32 : i32
    %add3A_84 = arith.addi %add3A, %add3A_83 : i32
    %mul3A_85 = arith.constant 1280 : i32
    %mul3A_86 = arith.muli %add3A_84, %mul3A_85 : i32
    %dma_wait3A_87 = arith.constant 0 : i32
    %dma_wait3A_88 = tpu.memref_slice %arg2[%dma_wait3A_87, %mul3A_86] : memref<16x320000xf32, #tpu.memory_space<hbm>> -> memref<16x1280xf32, #tpu.memory_space<hbm>>
    %dma_wait3A_89 = arith.constant 0 : i32
    %dma_wait3A_90 = tpu.memref_slice %arg2[%dma_wait3A_89, %mul3A_86] : memref<16x320000xf32, #tpu.memory_space<hbm>> -> memref<16x1280xf32, #tpu.memory_space<hbm>>
    tpu.wait_dma2 semaphore(%arg10 : memref<!tpu.dma_semaphore, #tpu.memory_space<semaphore_mem>>) src(%dma_wait3A_90 : memref<16x1280xf32, #tpu.memory_space<hbm>>) dst(%arg5 : memref<16x1280xf32, #tpu.memory_space<vmem>>)
    %scan3A_91 = arith.constant 0 : i32
    %scan3A_92 = arith.constant 80 : i32
    %scan3A_93 = arith.addi %scan3A_91, %scan3A_92 : i32
    %scan3A_94 = arith.constant 1 : i32
    %scan3A_95:16 = scf.for %scan3A_304 = %scan3A_91 to %scan3A_93 step %scan3A_94 iter_args(%scan3A_305 = %scan3A_73#0, %scan3A_306 = %scan3A_73#1, %scan3A_307 = %scan3A_73#2, %scan3A_308 = %scan3A_73#3, %scan3A_309 = %scan3A_73#4, %scan3A_310 = %scan3A_73#5, %scan3A_311 = %scan3A_73#6, %scan3A_312 = %scan3A_73#7, %scan3A_313 = %scan3A_73#8, %scan3A_314 = %scan3A_73#9, %scan3A_315 = %scan3A_73#10, %scan3A_316 = %scan3A_73#11, %scan3A_317 = %scan3A_73#12, %scan3A_318 = %scan3A_73#13, %scan3A_319 = %scan3A_73#14, %scan3A_320 = %scan3A_73#15) -> (vector<16xf32>, vector<16xf32>, vector<16xf32>, vector<16xf32>, vector<16xf32>, vector<16xf32>, vector<16xf32>, vector<16xf32>, vector<16xf32>, vector<16xf32>, vector<16xf32>, vector<16xf32>, vector<16xf32>, vector<16xf32>, vector<16xf32>, vector<16xf32>)  : i32 {
      %mul3A_321 = arith.constant 16 : i32
      %mul3A_322 = arith.muli %scan3A_304, %mul3A_321 : i32
      %get3A = arith.constant 0 : i32
      %get3A_323 = arith.index_cast %get3A : i32 to index
      %get3A_324 = arith.index_cast %mul3A_322 : i32 to index
      %get3A_325 = tpu.vector_load %arg5[%get3A_323, %get3A_324] {strides = array<i32>} : memref<16x1280xf32, #tpu.memory_space<vmem>>, vector<1x16xf32>,
      %get3A_326 = vector.shape_cast %get3A_325 : vector<1x16xf32> to vector<16xf32>
      %add3A_327 = arith.addf %scan3A_305, %get3A_326 : vector<16xf32>
      %get3A_328 = arith.constant 1 : i32
      %get3A_329 = arith.index_cast %get3A_328 : i32 to index
      %get3A_330 = arith.index_cast %mul3A_322 : i32 to index
      %get3A_331 = tpu.vector_load %arg5[%get3A_329, %get3A_330] {strides = array<i32>} : memref<16x1280xf32, #tpu.memory_space<vmem>>, vector<1x16xf32>,
      %get3A_332 = vector.shape_cast %get3A_331 : vector<1x16xf32> to vector<16xf32>
      %add3A_333 = arith.addf %scan3A_306, %get3A_332 : vector<16xf32>
      %get3A_334 = arith.constant 2 : i32
      %get3A_335 = arith.index_cast %get3A_334 : i32 to index
      %get3A_336 = arith.index_cast %mul3A_322 : i32 to index
      %get3A_337 = tpu.vector_load %arg5[%get3A_335, %get3A_336] {strides = array<i32>} : memref<16x1280xf32, #tpu.memory_space<vmem>>, vector<1x16xf32>,
      %get3A_338 = vector.shape_cast %get3A_337 : vector<1x16xf32> to vector<16xf32>
      %add3A_339 = arith.addf %scan3A_307, %get3A_338 : vector<16xf32>
      %get3A_340 = arith.constant 3 : i32
      %get3A_341 = arith.index_cast %get3A_340 : i32 to index
      %get3A_342 = arith.index_cast %mul3A_322 : i32 to index
      %get3A_343 = tpu.vector_load %arg5[%get3A_341, %get3A_342] {strides = array<i32>} : memref<16x1280xf32, #tpu.memory_space<vmem>>, vector<1x16xf32>,
      %get3A_344 = vector.shape_cast %get3A_343 : vector<1x16xf32> to vector<16xf32>
      %add3A_345 = arith.addf %scan3A_308, %get3A_344 : vector<16xf32>
      %get3A_346 = arith.constant 4 : i32
      %get3A_347 = arith.index_cast %get3A_346 : i32 to index
      %get3A_348 = arith.index_cast %mul3A_322 : i32 to index
      %get3A_349 = tpu.vector_load %arg5[%get3A_347, %get3A_348] {strides = array<i32>} : memref<16x1280xf32, #tpu.memory_space<vmem>>, vector<1x16xf32>,
      %get3A_350 = vector.shape_cast %get3A_349 : vector<1x16xf32> to vector<16xf32>
      %add3A_351 = arith.addf %scan3A_309, %get3A_350 : vector<16xf32>
      %get3A_352 = arith.constant 5 : i32
      %get3A_353 = arith.index_cast %get3A_352 : i32 to index
      %get3A_354 = arith.index_cast %mul3A_322 : i32 to index
      %get3A_355 = tpu.vector_load %arg5[%get3A_353, %get3A_354] {strides = array<i32>} : memref<16x1280xf32, #tpu.memory_space<vmem>>, vector<1x16xf32>,
      %get3A_356 = vector.shape_cast %get3A_355 : vector<1x16xf32> to vector<16xf32>
      %add3A_357 = arith.addf %scan3A_310, %get3A_356 : vector<16xf32>
      %get3A_358 = arith.constant 6 : i32
      %get3A_359 = arith.index_cast %get3A_358 : i32 to index
      %get3A_360 = arith.index_cast %mul3A_322 : i32 to index
      %get3A_361 = tpu.vector_load %arg5[%get3A_359, %get3A_360] {strides = array<i32>} : memref<16x1280xf32, #tpu.memory_space<vmem>>, vector<1x16xf32>,
      %get3A_362 = vector.shape_cast %get3A_361 : vector<1x16xf32> to vector<16xf32>
      %add3A_363 = arith.addf %scan3A_311, %get3A_362 : vector<16xf32>
      %get3A_364 = arith.constant 7 : i32
      %get3A_365 = arith.index_cast %get3A_364 : i32 to index
      %get3A_366 = arith.index_cast %mul3A_322 : i32 to index
      %get3A_367 = tpu.vector_load %arg5[%get3A_365, %get3A_366] {strides = array<i32>} : memref<16x1280xf32, #tpu.memory_space<vmem>>, vector<1x16xf32>,
      %get3A_368 = vector.shape_cast %get3A_367 : vector<1x16xf32> to vector<16xf32>
      %add3A_369 = arith.addf %scan3A_312, %get3A_368 : vector<16xf32>
      %get3A_370 = arith.constant 8 : i32
      %get3A_371 = arith.index_cast %get3A_370 : i32 to index
      %get3A_372 = arith.index_cast %mul3A_322 : i32 to index
      %get3A_373 = tpu.vector_load %arg5[%get3A_371, %get3A_372] {strides = array<i32>} : memref<16x1280xf32, #tpu.memory_space<vmem>>, vector<1x16xf32>,
      %get3A_374 = vector.shape_cast %get3A_373 : vector<1x16xf32> to vector<16xf32>
      %add3A_375 = arith.addf %scan3A_313, %get3A_374 : vector<16xf32>
      %get3A_376 = arith.constant 9 : i32
      %get3A_377 = arith.index_cast %get3A_376 : i32 to index
      %get3A_378 = arith.index_cast %mul3A_322 : i32 to index
      %get3A_379 = tpu.vector_load %arg5[%get3A_377, %get3A_378] {strides = array<i32>} : memref<16x1280xf32, #tpu.memory_space<vmem>>, vector<1x16xf32>,
      %get3A_380 = vector.shape_cast %get3A_379 : vector<1x16xf32> to vector<16xf32>
      %add3A_381 = arith.addf %scan3A_314, %get3A_380 : vector<16xf32>
      %get3A_382 = arith.constant 10 : i32
      %get3A_383 = arith.index_cast %get3A_382 : i32 to index
      %get3A_384 = arith.index_cast %mul3A_322 : i32 to index
      %get3A_385 = tpu.vector_load %arg5[%get3A_383, %get3A_384] {strides = array<i32>} : memref<16x1280xf32, #tpu.memory_space<vmem>>, vector<1x16xf32>,
      %get3A_386 = vector.shape_cast %get3A_385 : vector<1x16xf32> to vector<16xf32>
      %add3A_387 = arith.addf %scan3A_315, %get3A_386 : vector<16xf32>
      %get3A_388 = arith.constant 11 : i32
      %get3A_389 = arith.index_cast %get3A_388 : i32 to index
      %get3A_390 = arith.index_cast %mul3A_322 : i32 to index
      %get3A_391 = tpu.vector_load %arg5[%get3A_389, %get3A_390] {strides = array<i32>} : memref<16x1280xf32, #tpu.memory_space<vmem>>, vector<1x16xf32>,
      %get3A_392 = vector.shape_cast %get3A_391 : vector<1x16xf32> to vector<16xf32>
      %add3A_393 = arith.addf %scan3A_316, %get3A_392 : vector<16xf32>
      %get3A_394 = arith.constant 12 : i32
      %get3A_395 = arith.index_cast %get3A_394 : i32 to index
      %get3A_396 = arith.index_cast %mul3A_322 : i32 to index
      %get3A_397 = tpu.vector_load %arg5[%get3A_395, %get3A_396] {strides = array<i32>} : memref<16x1280xf32, #tpu.memory_space<vmem>>, vector<1x16xf32>,
      %get3A_398 = vector.shape_cast %get3A_397 : vector<1x16xf32> to vector<16xf32>
      %add3A_399 = arith.addf %scan3A_317, %get3A_398 : vector<16xf32>
      %get3A_400 = arith.constant 13 : i32
      %get3A_401 = arith.index_cast %get3A_400 : i32 to index
      %get3A_402 = arith.index_cast %mul3A_322 : i32 to index
      %get3A_403 = tpu.vector_load %arg5[%get3A_401, %get3A_402] {strides = array<i32>} : memref<16x1280xf32, #tpu.memory_space<vmem>>, vector<1x16xf32>,
      %get3A_404 = vector.shape_cast %get3A_403 : vector<1x16xf32> to vector<16xf32>
      %add3A_405 = arith.addf %scan3A_318, %get3A_404 : vector<16xf32>
      %get3A_406 = arith.constant 14 : i32
      %get3A_407 = arith.index_cast %get3A_406 : i32 to index
      %get3A_408 = arith.index_cast %mul3A_322 : i32 to index
      %get3A_409 = tpu.vector_load %arg5[%get3A_407, %get3A_408] {strides = array<i32>} : memref<16x1280xf32, #tpu.memory_space<vmem>>, vector<1x16xf32>,
      %get3A_410 = vector.shape_cast %get3A_409 : vector<1x16xf32> to vector<16xf32>
      %add3A_411 = arith.addf %scan3A_319, %get3A_410 : vector<16xf32>
      %get3A_412 = arith.constant 15 : i32
      %get3A_413 = arith.index_cast %get3A_412 : i32 to index
      %get3A_414 = arith.index_cast %mul3A_322 : i32 to index
      %get3A_415 = tpu.vector_load %arg5[%get3A_413, %get3A_414] {strides = array<i32>} : memref<16x1280xf32, #tpu.memory_space<vmem>>, vector<1x16xf32>,
      %get3A_416 = vector.shape_cast %get3A_415 : vector<1x16xf32> to vector<16xf32>
      %add3A_417 = arith.addf %scan3A_320, %get3A_416 : vector<16xf32>
      scf.yield %add3A_327, %add3A_333, %add3A_339, %add3A_345, %add3A_351, %add3A_357, %add3A_363, %add3A_369, %add3A_375, %add3A_381, %add3A_387, %add3A_393, %add3A_399, %add3A_405, %add3A_411, %add3A_417 : vector<16xf32>, vector<16xf32>, vector<16xf32>, vector<16xf32>, vector<16xf32>, vector<16xf32>, vector<16xf32>, vector<16xf32>, vector<16xf32>, vector<16xf32>, vector<16xf32>, vector<16xf32>, vector<16xf32>, vector<16xf32>, vector<16xf32>, vector<16xf32>
    }
    %scan3A_96 = arith.constant 80 : i32
    %add3A_97 = arith.constant 160 : i32
    %add3A_98 = arith.addi %add3A, %add3A_97 : i32
    %mul3A_99 = arith.constant 1280 : i32
    %mul3A_100 = arith.muli %add3A_98, %mul3A_99 : i32
    %dma_start3A_101 = arith.constant 0 : i32
    %dma_start3A_102 = tpu.memref_slice %arg2[%dma_start3A_101, %mul3A_100] : memref<16x320000xf32, #tpu.memory_space<hbm>> -> memref<16x1280xf32, #tpu.memory_space<hbm>>
    %dma_start3A_103 = arith.constant 0 : i32
    %dma_start3A_104 = tpu.memref_slice %arg2[%dma_start3A_103, %mul3A_100] : memref<16x320000xf32, #tpu.memory_space<hbm>> -> memref<16x1280xf32, #tpu.memory_space<hbm>>
    tpu.enqueue_dma source(%dma_start3A_104 : memref<16x1280xf32, #tpu.memory_space<hbm>>) target(%arg5 : memref<16x1280xf32, #tpu.memory_space<vmem>>) target_semaphore(%arg10 : memref<!tpu.dma_semaphore, #tpu.memory_space<semaphore_mem>>)
    %add3A_105 = arith.constant 64 : i32
    %add3A_106 = arith.addi %add3A, %add3A_105 : i32
    %mul3A_107 = arith.constant 1280 : i32
    %mul3A_108 = arith.muli %add3A_106, %mul3A_107 : i32
    %dma_wait3A_109 = arith.constant 0 : i32
    %dma_wait3A_110 = tpu.memref_slice %arg2[%dma_wait3A_109, %mul3A_108] : memref<16x320000xf32, #tpu.memory_space<hbm>> -> memref<16x1280xf32, #tpu.memory_space<hbm>>
    %dma_wait3A_111 = arith.constant 0 : i32
    %dma_wait3A_112 = tpu.memref_slice %arg2[%dma_wait3A_111, %mul3A_108] : memref<16x320000xf32, #tpu.memory_space<hbm>> -> memref<16x1280xf32, #tpu.memory_space<hbm>>
    tpu.wait_dma2 semaphore(%arg11 : memref<!tpu.dma_semaphore, #tpu.memory_space<semaphore_mem>>) src(%dma_wait3A_112 : memref<16x1280xf32, #tpu.memory_space<hbm>>) dst(%arg6 : memref<16x1280xf32, #tpu.memory_space<vmem>>)
    %scan3A_113 = arith.constant 0 : i32
    %scan3A_114 = arith.constant 80 : i32
    %scan3A_115 = arith.addi %scan3A_113, %scan3A_114 : i32
    %scan3A_116 = arith.constant 1 : i32
    %scan3A_117:16 = scf.for %scan3A_304 = %scan3A_113 to %scan3A_115 step %scan3A_116 iter_args(%scan3A_305 = %scan3A_95#0, %scan3A_306 = %scan3A_95#1, %scan3A_307 = %scan3A_95#2, %scan3A_308 = %scan3A_95#3, %scan3A_309 = %scan3A_95#4, %scan3A_310 = %scan3A_95#5, %scan3A_311 = %scan3A_95#6, %scan3A_312 = %scan3A_95#7, %scan3A_313 = %scan3A_95#8, %scan3A_314 = %scan3A_95#9, %scan3A_315 = %scan3A_95#10, %scan3A_316 = %scan3A_95#11, %scan3A_317 = %scan3A_95#12, %scan3A_318 = %scan3A_95#13, %scan3A_319 = %scan3A_95#14, %scan3A_320 = %scan3A_95#15) -> (vector<16xf32>, vector<16xf32>, vector<16xf32>, vector<16xf32>, vector<16xf32>, vector<16xf32>, vector<16xf32>, vector<16xf32>, vector<16xf32>, vector<16xf32>, vector<16xf32>, vector<16xf32>, vector<16xf32>, vector<16xf32>, vector<16xf32>, vector<16xf32>)  : i32 {
      %mul3A_321 = arith.constant 16 : i32
      %mul3A_322 = arith.muli %scan3A_304, %mul3A_321 : i32
      %get3A = arith.constant 0 : i32
      %get3A_323 = arith.index_cast %get3A : i32 to index
      %get3A_324 = arith.index_cast %mul3A_322 : i32 to index
      %get3A_325 = tpu.vector_load %arg6[%get3A_323, %get3A_324] {strides = array<i32>} : memref<16x1280xf32, #tpu.memory_space<vmem>>, vector<1x16xf32>,
      %get3A_326 = vector.shape_cast %get3A_325 : vector<1x16xf32> to vector<16xf32>
      %add3A_327 = arith.addf %scan3A_305, %get3A_326 : vector<16xf32>
      %get3A_328 = arith.constant 1 : i32
      %get3A_329 = arith.index_cast %get3A_328 : i32 to index
      %get3A_330 = arith.index_cast %mul3A_322 : i32 to index
      %get3A_331 = tpu.vector_load %arg6[%get3A_329, %get3A_330] {strides = array<i32>} : memref<16x1280xf32, #tpu.memory_space<vmem>>, vector<1x16xf32>,
      %get3A_332 = vector.shape_cast %get3A_331 : vector<1x16xf32> to vector<16xf32>
      %add3A_333 = arith.addf %scan3A_306, %get3A_332 : vector<16xf32>
      %get3A_334 = arith.constant 2 : i32
      %get3A_335 = arith.index_cast %get3A_334 : i32 to index
      %get3A_336 = arith.index_cast %mul3A_322 : i32 to index
      %get3A_337 = tpu.vector_load %arg6[%get3A_335, %get3A_336] {strides = array<i32>} : memref<16x1280xf32, #tpu.memory_space<vmem>>, vector<1x16xf32>,
      %get3A_338 = vector.shape_cast %get3A_337 : vector<1x16xf32> to vector<16xf32>
      %add3A_339 = arith.addf %scan3A_307, %get3A_338 : vector<16xf32>
      %get3A_340 = arith.constant 3 : i32
      %get3A_341 = arith.index_cast %get3A_340 : i32 to index
      %get3A_342 = arith.index_cast %mul3A_322 : i32 to index
      %get3A_343 = tpu.vector_load %arg6[%get3A_341, %get3A_342] {strides = array<i32>} : memref<16x1280xf32, #tpu.memory_space<vmem>>, vector<1x16xf32>,
      %get3A_344 = vector.shape_cast %get3A_343 : vector<1x16xf32> to vector<16xf32>
      %add3A_345 = arith.addf %scan3A_308, %get3A_344 : vector<16xf32>
      %get3A_346 = arith.constant 4 : i32
      %get3A_347 = arith.index_cast %get3A_346 : i32 to index
      %get3A_348 = arith.index_cast %mul3A_322 : i32 to index
      %get3A_349 = tpu.vector_load %arg6[%get3A_347, %get3A_348] {strides = array<i32>} : memref<16x1280xf32, #tpu.memory_space<vmem>>, vector<1x16xf32>,
      %get3A_350 = vector.shape_cast %get3A_349 : vector<1x16xf32> to vector<16xf32>
      %add3A_351 = arith.addf %scan3A_309, %get3A_350 : vector<16xf32>
      %get3A_352 = arith.constant 5 : i32
      %get3A_353 = arith.index_cast %get3A_352 : i32 to index
      %get3A_354 = arith.index_cast %mul3A_322 : i32 to index
      %get3A_355 = tpu.vector_load %arg6[%get3A_353, %get3A_354] {strides = array<i32>} : memref<16x1280xf32, #tpu.memory_space<vmem>>, vector<1x16xf32>,
      %get3A_356 = vector.shape_cast %get3A_355 : vector<1x16xf32> to vector<16xf32>
      %add3A_357 = arith.addf %scan3A_310, %get3A_356 : vector<16xf32>
      %get3A_358 = arith.constant 6 : i32
      %get3A_359 = arith.index_cast %get3A_358 : i32 to index
      %get3A_360 = arith.index_cast %mul3A_322 : i32 to index
      %get3A_361 = tpu.vector_load %arg6[%get3A_359, %get3A_360] {strides = array<i32>} : memref<16x1280xf32, #tpu.memory_space<vmem>>, vector<1x16xf32>,
      %get3A_362 = vector.shape_cast %get3A_361 : vector<1x16xf32> to vector<16xf32>
      %add3A_363 = arith.addf %scan3A_311, %get3A_362 : vector<16xf32>
      %get3A_364 = arith.constant 7 : i32
      %get3A_365 = arith.index_cast %get3A_364 : i32 to index
      %get3A_366 = arith.index_cast %mul3A_322 : i32 to index
      %get3A_367 = tpu.vector_load %arg6[%get3A_365, %get3A_366] {strides = array<i32>} : memref<16x1280xf32, #tpu.memory_space<vmem>>, vector<1x16xf32>,
      %get3A_368 = vector.shape_cast %get3A_367 : vector<1x16xf32> to vector<16xf32>
      %add3A_369 = arith.addf %scan3A_312, %get3A_368 : vector<16xf32>
      %get3A_370 = arith.constant 8 : i32
      %get3A_371 = arith.index_cast %get3A_370 : i32 to index
      %get3A_372 = arith.index_cast %mul3A_322 : i32 to index
      %get3A_373 = tpu.vector_load %arg6[%get3A_371, %get3A_372] {strides = array<i32>} : memref<16x1280xf32, #tpu.memory_space<vmem>>, vector<1x16xf32>,
      %get3A_374 = vector.shape_cast %get3A_373 : vector<1x16xf32> to vector<16xf32>
      %add3A_375 = arith.addf %scan3A_313, %get3A_374 : vector<16xf32>
      %get3A_376 = arith.constant 9 : i32
      %get3A_377 = arith.index_cast %get3A_376 : i32 to index
      %get3A_378 = arith.index_cast %mul3A_322 : i32 to index
      %get3A_379 = tpu.vector_load %arg6[%get3A_377, %get3A_378] {strides = array<i32>} : memref<16x1280xf32, #tpu.memory_space<vmem>>, vector<1x16xf32>,
      %get3A_380 = vector.shape_cast %get3A_379 : vector<1x16xf32> to vector<16xf32>
      %add3A_381 = arith.addf %scan3A_314, %get3A_380 : vector<16xf32>
      %get3A_382 = arith.constant 10 : i32
      %get3A_383 = arith.index_cast %get3A_382 : i32 to index
      %get3A_384 = arith.index_cast %mul3A_322 : i32 to index
      %get3A_385 = tpu.vector_load %arg6[%get3A_383, %get3A_384] {strides = array<i32>} : memref<16x1280xf32, #tpu.memory_space<vmem>>, vector<1x16xf32>,
      %get3A_386 = vector.shape_cast %get3A_385 : vector<1x16xf32> to vector<16xf32>
      %add3A_387 = arith.addf %scan3A_315, %get3A_386 : vector<16xf32>
      %get3A_388 = arith.constant 11 : i32
      %get3A_389 = arith.index_cast %get3A_388 : i32 to index
      %get3A_390 = arith.index_cast %mul3A_322 : i32 to index
      %get3A_391 = tpu.vector_load %arg6[%get3A_389, %get3A_390] {strides = array<i32>} : memref<16x1280xf32, #tpu.memory_space<vmem>>, vector<1x16xf32>,
      %get3A_392 = vector.shape_cast %get3A_391 : vector<1x16xf32> to vector<16xf32>
      %add3A_393 = arith.addf %scan3A_316, %get3A_392 : vector<16xf32>
      %get3A_394 = arith.constant 12 : i32
      %get3A_395 = arith.index_cast %get3A_394 : i32 to index
      %get3A_396 = arith.index_cast %mul3A_322 : i32 to index
      %get3A_397 = tpu.vector_load %arg6[%get3A_395, %get3A_396] {strides = array<i32>} : memref<16x1280xf32, #tpu.memory_space<vmem>>, vector<1x16xf32>,
      %get3A_398 = vector.shape_cast %get3A_397 : vector<1x16xf32> to vector<16xf32>
      %add3A_399 = arith.addf %scan3A_317, %get3A_398 : vector<16xf32>
      %get3A_400 = arith.constant 13 : i32
      %get3A_401 = arith.index_cast %get3A_400 : i32 to index
      %get3A_402 = arith.index_cast %mul3A_322 : i32 to index
      %get3A_403 = tpu.vector_load %arg6[%get3A_401, %get3A_402] {strides = array<i32>} : memref<16x1280xf32, #tpu.memory_space<vmem>>, vector<1x16xf32>,
      %get3A_404 = vector.shape_cast %get3A_403 : vector<1x16xf32> to vector<16xf32>
      %add3A_405 = arith.addf %scan3A_318, %get3A_404 : vector<16xf32>
      %get3A_406 = arith.constant 14 : i32
      %get3A_407 = arith.index_cast %get3A_406 : i32 to index
      %get3A_408 = arith.index_cast %mul3A_322 : i32 to index
      %get3A_409 = tpu.vector_load %arg6[%get3A_407, %get3A_408] {strides = array<i32>} : memref<16x1280xf32, #tpu.memory_space<vmem>>, vector<1x16xf32>,
      %get3A_410 = vector.shape_cast %get3A_409 : vector<1x16xf32> to vector<16xf32>
      %add3A_411 = arith.addf %scan3A_319, %get3A_410 : vector<16xf32>
      %get3A_412 = arith.constant 15 : i32
      %get3A_413 = arith.index_cast %get3A_412 : i32 to index
      %get3A_414 = arith.index_cast %mul3A_322 : i32 to index
      %get3A_415 = tpu.vector_load %arg6[%get3A_413, %get3A_414] {strides = array<i32>} : memref<16x1280xf32, #tpu.memory_space<vmem>>, vector<1x16xf32>,
      %get3A_416 = vector.shape_cast %get3A_415 : vector<1x16xf32> to vector<16xf32>
      %add3A_417 = arith.addf %scan3A_320, %get3A_416 : vector<16xf32>
      scf.yield %add3A_327, %add3A_333, %add3A_339, %add3A_345, %add3A_351, %add3A_357, %add3A_363, %add3A_369, %add3A_375, %add3A_381, %add3A_387, %add3A_393, %add3A_399, %add3A_405, %add3A_411, %add3A_417 : vector<16xf32>, vector<16xf32>, vector<16xf32>, vector<16xf32>, vector<16xf32>, vector<16xf32>, vector<16xf32>, vector<16xf32>, vector<16xf32>, vector<16xf32>, vector<16xf32>, vector<16xf32>, vector<16xf32>, vector<16xf32>, vector<16xf32>, vector<16xf32>
    }
    %scan3A_118 = arith.constant 80 : i32
    %add3A_119 = arith.constant 192 : i32
    %add3A_120 = arith.addi %add3A, %add3A_119 : i32
    %mul3A_121 = arith.constant 1280 : i32
    %mul3A_122 = arith.muli %add3A_120, %mul3A_121 : i32
    %dma_start3A_123 = arith.constant 0 : i32
    %dma_start3A_124 = tpu.memref_slice %arg2[%dma_start3A_123, %mul3A_122] : memref<16x320000xf32, #tpu.memory_space<hbm>> -> memref<16x1280xf32, #tpu.memory_space<hbm>>
    %dma_start3A_125 = arith.constant 0 : i32
    %dma_start3A_126 = tpu.memref_slice %arg2[%dma_start3A_125, %mul3A_122] : memref<16x320000xf32, #tpu.memory_space<hbm>> -> memref<16x1280xf32, #tpu.memory_space<hbm>>
    tpu.enqueue_dma source(%dma_start3A_126 : memref<16x1280xf32, #tpu.memory_space<hbm>>) target(%arg6 : memref<16x1280xf32, #tpu.memory_space<vmem>>) target_semaphore(%arg11 : memref<!tpu.dma_semaphore, #tpu.memory_space<semaphore_mem>>)
    %add3A_127 = arith.constant 96 : i32
    %add3A_128 = arith.addi %add3A, %add3A_127 : i32
    %mul3A_129 = arith.constant 1280 : i32
    %mul3A_130 = arith.muli %add3A_128, %mul3A_129 : i32
    %dma_wait3A_131 = arith.constant 0 : i32
    %dma_wait3A_132 = tpu.memref_slice %arg2[%dma_wait3A_131, %mul3A_130] : memref<16x320000xf32, #tpu.memory_space<hbm>> -> memref<16x1280xf32, #tpu.memory_space<hbm>>
    %dma_wait3A_133 = arith.constant 0 : i32
    %dma_wait3A_134 = tpu.memref_slice %arg2[%dma_wait3A_133, %mul3A_130] : memref<16x320000xf32, #tpu.memory_space<hbm>> -> memref<16x1280xf32, #tpu.memory_space<hbm>>
    tpu.wait_dma2 semaphore(%arg12 : memref<!tpu.dma_semaphore, #tpu.memory_space<semaphore_mem>>) src(%dma_wait3A_134 : memref<16x1280xf32, #tpu.memory_space<hbm>>) dst(%arg7 : memref<16x1280xf32, #tpu.memory_space<vmem>>)
    %scan3A_135 = arith.constant 0 : i32
    %scan3A_136 = arith.constant 80 : i32
    %scan3A_137 = arith.addi %scan3A_135, %scan3A_136 : i32
    %scan3A_138 = arith.constant 1 : i32
    %scan3A_139:16 = scf.for %scan3A_304 = %scan3A_135 to %scan3A_137 step %scan3A_138 iter_args(%scan3A_305 = %scan3A_117#0, %scan3A_306 = %scan3A_117#1, %scan3A_307 = %scan3A_117#2, %scan3A_308 = %scan3A_117#3, %scan3A_309 = %scan3A_117#4, %scan3A_310 = %scan3A_117#5, %scan3A_311 = %scan3A_117#6, %scan3A_312 = %scan3A_117#7, %scan3A_313 = %scan3A_117#8, %scan3A_314 = %scan3A_117#9, %scan3A_315 = %scan3A_117#10, %scan3A_316 = %scan3A_117#11, %scan3A_317 = %scan3A_117#12, %scan3A_318 = %scan3A_117#13, %scan3A_319 = %scan3A_117#14, %scan3A_320 = %scan3A_117#15) -> (vector<16xf32>, vector<16xf32>, vector<16xf32>, vector<16xf32>, vector<16xf32>, vector<16xf32>, vector<16xf32>, vector<16xf32>, vector<16xf32>, vector<16xf32>, vector<16xf32>, vector<16xf32>, vector<16xf32>, vector<16xf32>, vector<16xf32>, vector<16xf32>)  : i32 {
      %mul3A_321 = arith.constant 16 : i32
      %mul3A_322 = arith.muli %scan3A_304, %mul3A_321 : i32
      %get3A = arith.constant 0 : i32
      %get3A_323 = arith.index_cast %get3A : i32 to index
      %get3A_324 = arith.index_cast %mul3A_322 : i32 to index
      %get3A_325 = tpu.vector_load %arg7[%get3A_323, %get3A_324] {strides = array<i32>} : memref<16x1280xf32, #tpu.memory_space<vmem>>, vector<1x16xf32>,
      %get3A_326 = vector.shape_cast %get3A_325 : vector<1x16xf32> to vector<16xf32>
      %add3A_327 = arith.addf %scan3A_305, %get3A_326 : vector<16xf32>
      %get3A_328 = arith.constant 1 : i32
      %get3A_329 = arith.index_cast %get3A_328 : i32 to index
      %get3A_330 = arith.index_cast %mul3A_322 : i32 to index
      %get3A_331 = tpu.vector_load %arg7[%get3A_329, %get3A_330] {strides = array<i32>} : memref<16x1280xf32, #tpu.memory_space<vmem>>, vector<1x16xf32>,
      %get3A_332 = vector.shape_cast %get3A_331 : vector<1x16xf32> to vector<16xf32>
      %add3A_333 = arith.addf %scan3A_306, %get3A_332 : vector<16xf32>
      %get3A_334 = arith.constant 2 : i32
      %get3A_335 = arith.index_cast %get3A_334 : i32 to index
      %get3A_336 = arith.index_cast %mul3A_322 : i32 to index
      %get3A_337 = tpu.vector_load %arg7[%get3A_335, %get3A_336] {strides = array<i32>} : memref<16x1280xf32, #tpu.memory_space<vmem>>, vector<1x16xf32>,
      %get3A_338 = vector.shape_cast %get3A_337 : vector<1x16xf32> to vector<16xf32>
      %add3A_339 = arith.addf %scan3A_307, %get3A_338 : vector<16xf32>
      %get3A_340 = arith.constant 3 : i32
      %get3A_341 = arith.index_cast %get3A_340 : i32 to index
      %get3A_342 = arith.index_cast %mul3A_322 : i32 to index
      %get3A_343 = tpu.vector_load %arg7[%get3A_341, %get3A_342] {strides = array<i32>} : memref<16x1280xf32, #tpu.memory_space<vmem>>, vector<1x16xf32>,
      %get3A_344 = vector.shape_cast %get3A_343 : vector<1x16xf32> to vector<16xf32>
      %add3A_345 = arith.addf %scan3A_308, %get3A_344 : vector<16xf32>
      %get3A_346 = arith.constant 4 : i32
      %get3A_347 = arith.index_cast %get3A_346 : i32 to index
      %get3A_348 = arith.index_cast %mul3A_322 : i32 to index
      %get3A_349 = tpu.vector_load %arg7[%get3A_347, %get3A_348] {strides = array<i32>} : memref<16x1280xf32, #tpu.memory_space<vmem>>, vector<1x16xf32>,
      %get3A_350 = vector.shape_cast %get3A_349 : vector<1x16xf32> to vector<16xf32>
      %add3A_351 = arith.addf %scan3A_309, %get3A_350 : vector<16xf32>
      %get3A_352 = arith.constant 5 : i32
      %get3A_353 = arith.index_cast %get3A_352 : i32 to index
      %get3A_354 = arith.index_cast %mul3A_322 : i32 to index
      %get3A_355 = tpu.vector_load %arg7[%get3A_353, %get3A_354] {strides = array<i32>} : memref<16x1280xf32, #tpu.memory_space<vmem>>, vector<1x16xf32>,
      %get3A_356 = vector.shape_cast %get3A_355 : vector<1x16xf32> to vector<16xf32>
      %add3A_357 = arith.addf %scan3A_310, %get3A_356 : vector<16xf32>
      %get3A_358 = arith.constant 6 : i32
      %get3A_359 = arith.index_cast %get3A_358 : i32 to index
      %get3A_360 = arith.index_cast %mul3A_322 : i32 to index
      %get3A_361 = tpu.vector_load %arg7[%get3A_359, %get3A_360] {strides = array<i32>} : memref<16x1280xf32, #tpu.memory_space<vmem>>, vector<1x16xf32>,
      %get3A_362 = vector.shape_cast %get3A_361 : vector<1x16xf32> to vector<16xf32>
      %add3A_363 = arith.addf %scan3A_311, %get3A_362 : vector<16xf32>
      %get3A_364 = arith.constant 7 : i32
      %get3A_365 = arith.index_cast %get3A_364 : i32 to index
      %get3A_366 = arith.index_cast %mul3A_322 : i32 to index
      %get3A_367 = tpu.vector_load %arg7[%get3A_365, %get3A_366] {strides = array<i32>} : memref<16x1280xf32, #tpu.memory_space<vmem>>, vector<1x16xf32>,
      %get3A_368 = vector.shape_cast %get3A_367 : vector<1x16xf32> to vector<16xf32>
      %add3A_369 = arith.addf %scan3A_312, %get3A_368 : vector<16xf32>
      %get3A_370 = arith.constant 8 : i32
      %get3A_371 = arith.index_cast %get3A_370 : i32 to index
      %get3A_372 = arith.index_cast %mul3A_322 : i32 to index
      %get3A_373 = tpu.vector_load %arg7[%get3A_371, %get3A_372] {strides = array<i32>} : memref<16x1280xf32, #tpu.memory_space<vmem>>, vector<1x16xf32>,
      %get3A_374 = vector.shape_cast %get3A_373 : vector<1x16xf32> to vector<16xf32>
      %add3A_375 = arith.addf %scan3A_313, %get3A_374 : vector<16xf32>
      %get3A_376 = arith.constant 9 : i32
      %get3A_377 = arith.index_cast %get3A_376 : i32 to index
      %get3A_378 = arith.index_cast %mul3A_322 : i32 to index
      %get3A_379 = tpu.vector_load %arg7[%get3A_377, %get3A_378] {strides = array<i32>} : memref<16x1280xf32, #tpu.memory_space<vmem>>, vector<1x16xf32>,
      %get3A_380 = vector.shape_cast %get3A_379 : vector<1x16xf32> to vector<16xf32>
      %add3A_381 = arith.addf %scan3A_314, %get3A_380 : vector<16xf32>
      %get3A_382 = arith.constant 10 : i32
      %get3A_383 = arith.index_cast %get3A_382 : i32 to index
      %get3A_384 = arith.index_cast %mul3A_322 : i32 to index
      %get3A_385 = tpu.vector_load %arg7[%get3A_383, %get3A_384] {strides = array<i32>} : memref<16x1280xf32, #tpu.memory_space<vmem>>, vector<1x16xf32>,
      %get3A_386 = vector.shape_cast %get3A_385 : vector<1x16xf32> to vector<16xf32>
      %add3A_387 = arith.addf %scan3A_315, %get3A_386 : vector<16xf32>
      %get3A_388 = arith.constant 11 : i32
      %get3A_389 = arith.index_cast %get3A_388 : i32 to index
      %get3A_390 = arith.index_cast %mul3A_322 : i32 to index
      %get3A_391 = tpu.vector_load %arg7[%get3A_389, %get3A_390] {strides = array<i32>} : memref<16x1280xf32, #tpu.memory_space<vmem>>, vector<1x16xf32>,
      %get3A_392 = vector.shape_cast %get3A_391 : vector<1x16xf32> to vector<16xf32>
      %add3A_393 = arith.addf %scan3A_316, %get3A_392 : vector<16xf32>
      %get3A_394 = arith.constant 12 : i32
      %get3A_395 = arith.index_cast %get3A_394 : i32 to index
      %get3A_396 = arith.index_cast %mul3A_322 : i32 to index
      %get3A_397 = tpu.vector_load %arg7[%get3A_395, %get3A_396] {strides = array<i32>} : memref<16x1280xf32, #tpu.memory_space<vmem>>, vector<1x16xf32>,
      %get3A_398 = vector.shape_cast %get3A_397 : vector<1x16xf32> to vector<16xf32>
      %add3A_399 = arith.addf %scan3A_317, %get3A_398 : vector<16xf32>
      %get3A_400 = arith.constant 13 : i32
      %get3A_401 = arith.index_cast %get3A_400 : i32 to index
      %get3A_402 = arith.index_cast %mul3A_322 : i32 to index
      %get3A_403 = tpu.vector_load %arg7[%get3A_401, %get3A_402] {strides = array<i32>} : memref<16x1280xf32, #tpu.memory_space<vmem>>, vector<1x16xf32>,
      %get3A_404 = vector.shape_cast %get3A_403 : vector<1x16xf32> to vector<16xf32>
      %add3A_405 = arith.addf %scan3A_318, %get3A_404 : vector<16xf32>
      %get3A_406 = arith.constant 14 : i32
      %get3A_407 = arith.index_cast %get3A_406 : i32 to index
      %get3A_408 = arith.index_cast %mul3A_322 : i32 to index
      %get3A_409 = tpu.vector_load %arg7[%get3A_407, %get3A_408] {strides = array<i32>} : memref<16x1280xf32, #tpu.memory_space<vmem>>, vector<1x16xf32>,
      %get3A_410 = vector.shape_cast %get3A_409 : vector<1x16xf32> to vector<16xf32>
      %add3A_411 = arith.addf %scan3A_319, %get3A_410 : vector<16xf32>
      %get3A_412 = arith.constant 15 : i32
      %get3A_413 = arith.index_cast %get3A_412 : i32 to index
      %get3A_414 = arith.index_cast %mul3A_322 : i32 to index
      %get3A_415 = tpu.vector_load %arg7[%get3A_413, %get3A_414] {strides = array<i32>} : memref<16x1280xf32, #tpu.memory_space<vmem>>, vector<1x16xf32>,
      %get3A_416 = vector.shape_cast %get3A_415 : vector<1x16xf32> to vector<16xf32>
      %add3A_417 = arith.addf %scan3A_320, %get3A_416 : vector<16xf32>
      scf.yield %add3A_327, %add3A_333, %add3A_339, %add3A_345, %add3A_351, %add3A_357, %add3A_363, %add3A_369, %add3A_375, %add3A_381, %add3A_387, %add3A_393, %add3A_399, %add3A_405, %add3A_411, %add3A_417 : vector<16xf32>, vector<16xf32>, vector<16xf32>, vector<16xf32>, vector<16xf32>, vector<16xf32>, vector<16xf32>, vector<16xf32>, vector<16xf32>, vector<16xf32>, vector<16xf32>, vector<16xf32>, vector<16xf32>, vector<16xf32>, vector<16xf32>, vector<16xf32>
    }
    %scan3A_140 = arith.constant 80 : i32
    %add3A_141 = arith.constant 224 : i32
    %add3A_142 = arith.addi %add3A, %add3A_141 : i32
    %lt3A = arith.constant 250 : i32
    %lt3A_143 = arith.cmpi slt, %add3A_142, %lt3A : i32
    %convert_element_type3A = arith.extui %lt3A_143 : i1 to i32
    %cond3A = arith.constant 0 : i32
    %cond3A_144 = arith.cmpi ne, %convert_element_type3A, %cond3A : i32
    scf.if %cond3A_144 {
      %add3A_304 = arith.constant 224 : i32
      %add3A_305 = arith.addi %add3A, %add3A_304 : i32
      %mul3A_306 = arith.constant 1280 : i32
      %mul3A_307 = arith.muli %add3A_305, %mul3A_306 : i32
      %dma_start3A_308 = arith.constant 0 : i32
      %dma_start3A_309 = tpu.memref_slice %arg2[%dma_start3A_308, %mul3A_307] : memref<16x320000xf32, #tpu.memory_space<hbm>> -> memref<16x1280xf32, #tpu.memory_space<hbm>>
      %dma_start3A_310 = arith.constant 0 : i32
      %dma_start3A_311 = tpu.memref_slice %arg2[%dma_start3A_310, %mul3A_307] : memref<16x320000xf32, #tpu.memory_space<hbm>> -> memref<16x1280xf32, #tpu.memory_space<hbm>>
      tpu.enqueue_dma source(%dma_start3A_311 : memref<16x1280xf32, #tpu.memory_space<hbm>>) target(%arg7 : memref<16x1280xf32, #tpu.memory_space<vmem>>) target_semaphore(%arg12 : memref<!tpu.dma_semaphore, #tpu.memory_space<semaphore_mem>>)
    } else {
    }
    %add3A_145 = arith.constant 128 : i32
    %add3A_146 = arith.addi %add3A, %add3A_145 : i32
    %mul3A_147 = arith.constant 1280 : i32
    %mul3A_148 = arith.muli %add3A_146, %mul3A_147 : i32
    %dma_wait3A_149 = arith.constant 0 : i32
    %dma_wait3A_150 = tpu.memref_slice %arg2[%dma_wait3A_149, %mul3A_148] : memref<16x320000xf32, #tpu.memory_space<hbm>> -> memref<16x1280xf32, #tpu.memory_space<hbm>>
    %dma_wait3A_151 = arith.constant 0 : i32
    %dma_wait3A_152 = tpu.memref_slice %arg2[%dma_wait3A_151, %mul3A_148] : memref<16x320000xf32, #tpu.memory_space<hbm>> -> memref<16x1280xf32, #tpu.memory_space<hbm>>
    tpu.wait_dma2 semaphore(%arg9 : memref<!tpu.dma_semaphore, #tpu.memory_space<semaphore_mem>>) src(%dma_wait3A_152 : memref<16x1280xf32, #tpu.memory_space<hbm>>) dst(%arg4 : memref<16x1280xf32, #tpu.memory_space<vmem>>)
    %scan3A_153 = arith.constant 0 : i32
    %scan3A_154 = arith.constant 80 : i32
    %scan3A_155 = arith.addi %scan3A_153, %scan3A_154 : i32
    %scan3A_156 = arith.constant 1 : i32
    %scan3A_157:16 = scf.for %scan3A_304 = %scan3A_153 to %scan3A_155 step %scan3A_156 iter_args(%scan3A_305 = %scan3A_139#0, %scan3A_306 = %scan3A_139#1, %scan3A_307 = %scan3A_139#2, %scan3A_308 = %scan3A_139#3, %scan3A_309 = %scan3A_139#4, %scan3A_310 = %scan3A_139#5, %scan3A_311 = %scan3A_139#6, %scan3A_312 = %scan3A_139#7, %scan3A_313 = %scan3A_139#8, %scan3A_314 = %scan3A_139#9, %scan3A_315 = %scan3A_139#10, %scan3A_316 = %scan3A_139#11, %scan3A_317 = %scan3A_139#12, %scan3A_318 = %scan3A_139#13, %scan3A_319 = %scan3A_139#14, %scan3A_320 = %scan3A_139#15) -> (vector<16xf32>, vector<16xf32>, vector<16xf32>, vector<16xf32>, vector<16xf32>, vector<16xf32>, vector<16xf32>, vector<16xf32>, vector<16xf32>, vector<16xf32>, vector<16xf32>, vector<16xf32>, vector<16xf32>, vector<16xf32>, vector<16xf32>, vector<16xf32>)  : i32 {
      %mul3A_321 = arith.constant 16 : i32
      %mul3A_322 = arith.muli %scan3A_304, %mul3A_321 : i32
      %get3A = arith.constant 0 : i32
      %get3A_323 = arith.index_cast %get3A : i32 to index
      %get3A_324 = arith.index_cast %mul3A_322 : i32 to index
      %get3A_325 = tpu.vector_load %arg4[%get3A_323, %get3A_324] {strides = array<i32>} : memref<16x1280xf32, #tpu.memory_space<vmem>>, vector<1x16xf32>,
      %get3A_326 = vector.shape_cast %get3A_325 : vector<1x16xf32> to vector<16xf32>
      %add3A_327 = arith.addf %scan3A_305, %get3A_326 : vector<16xf32>
      %get3A_328 = arith.constant 1 : i32
      %get3A_329 = arith.index_cast %get3A_328 : i32 to index
      %get3A_330 = arith.index_cast %mul3A_322 : i32 to index
      %get3A_331 = tpu.vector_load %arg4[%get3A_329, %get3A_330] {strides = array<i32>} : memref<16x1280xf32, #tpu.memory_space<vmem>>, vector<1x16xf32>,
      %get3A_332 = vector.shape_cast %get3A_331 : vector<1x16xf32> to vector<16xf32>
      %add3A_333 = arith.addf %scan3A_306, %get3A_332 : vector<16xf32>
      %get3A_334 = arith.constant 2 : i32
      %get3A_335 = arith.index_cast %get3A_334 : i32 to index
      %get3A_336 = arith.index_cast %mul3A_322 : i32 to index
      %get3A_337 = tpu.vector_load %arg4[%get3A_335, %get3A_336] {strides = array<i32>} : memref<16x1280xf32, #tpu.memory_space<vmem>>, vector<1x16xf32>,
      %get3A_338 = vector.shape_cast %get3A_337 : vector<1x16xf32> to vector<16xf32>
      %add3A_339 = arith.addf %scan3A_307, %get3A_338 : vector<16xf32>
      %get3A_340 = arith.constant 3 : i32
      %get3A_341 = arith.index_cast %get3A_340 : i32 to index
      %get3A_342 = arith.index_cast %mul3A_322 : i32 to index
      %get3A_343 = tpu.vector_load %arg4[%get3A_341, %get3A_342] {strides = array<i32>} : memref<16x1280xf32, #tpu.memory_space<vmem>>, vector<1x16xf32>,
      %get3A_344 = vector.shape_cast %get3A_343 : vector<1x16xf32> to vector<16xf32>
      %add3A_345 = arith.addf %scan3A_308, %get3A_344 : vector<16xf32>
      %get3A_346 = arith.constant 4 : i32
      %get3A_347 = arith.index_cast %get3A_346 : i32 to index
      %get3A_348 = arith.index_cast %mul3A_322 : i32 to index
      %get3A_349 = tpu.vector_load %arg4[%get3A_347, %get3A_348] {strides = array<i32>} : memref<16x1280xf32, #tpu.memory_space<vmem>>, vector<1x16xf32>,
      %get3A_350 = vector.shape_cast %get3A_349 : vector<1x16xf32> to vector<16xf32>
      %add3A_351 = arith.addf %scan3A_309, %get3A_350 : vector<16xf32>
      %get3A_352 = arith.constant 5 : i32
      %get3A_353 = arith.index_cast %get3A_352 : i32 to index
      %get3A_354 = arith.index_cast %mul3A_322 : i32 to index
      %get3A_355 = tpu.vector_load %arg4[%get3A_353, %get3A_354] {strides = array<i32>} : memref<16x1280xf32, #tpu.memory_space<vmem>>, vector<1x16xf32>,
      %get3A_356 = vector.shape_cast %get3A_355 : vector<1x16xf32> to vector<16xf32>
      %add3A_357 = arith.addf %scan3A_310, %get3A_356 : vector<16xf32>
      %get3A_358 = arith.constant 6 : i32
      %get3A_359 = arith.index_cast %get3A_358 : i32 to index
      %get3A_360 = arith.index_cast %mul3A_322 : i32 to index
      %get3A_361 = tpu.vector_load %arg4[%get3A_359, %get3A_360] {strides = array<i32>} : memref<16x1280xf32, #tpu.memory_space<vmem>>, vector<1x16xf32>,
      %get3A_362 = vector.shape_cast %get3A_361 : vector<1x16xf32> to vector<16xf32>
      %add3A_363 = arith.addf %scan3A_311, %get3A_362 : vector<16xf32>
      %get3A_364 = arith.constant 7 : i32
      %get3A_365 = arith.index_cast %get3A_364 : i32 to index
      %get3A_366 = arith.index_cast %mul3A_322 : i32 to index
      %get3A_367 = tpu.vector_load %arg4[%get3A_365, %get3A_366] {strides = array<i32>} : memref<16x1280xf32, #tpu.memory_space<vmem>>, vector<1x16xf32>,
      %get3A_368 = vector.shape_cast %get3A_367 : vector<1x16xf32> to vector<16xf32>
      %add3A_369 = arith.addf %scan3A_312, %get3A_368 : vector<16xf32>
      %get3A_370 = arith.constant 8 : i32
      %get3A_371 = arith.index_cast %get3A_370 : i32 to index
      %get3A_372 = arith.index_cast %mul3A_322 : i32 to index
      %get3A_373 = tpu.vector_load %arg4[%get3A_371, %get3A_372] {strides = array<i32>} : memref<16x1280xf32, #tpu.memory_space<vmem>>, vector<1x16xf32>,
      %get3A_374 = vector.shape_cast %get3A_373 : vector<1x16xf32> to vector<16xf32>
      %add3A_375 = arith.addf %scan3A_313, %get3A_374 : vector<16xf32>
      %get3A_376 = arith.constant 9 : i32
      %get3A_377 = arith.index_cast %get3A_376 : i32 to index
      %get3A_378 = arith.index_cast %mul3A_322 : i32 to index
      %get3A_379 = tpu.vector_load %arg4[%get3A_377, %get3A_378] {strides = array<i32>} : memref<16x1280xf32, #tpu.memory_space<vmem>>, vector<1x16xf32>,
      %get3A_380 = vector.shape_cast %get3A_379 : vector<1x16xf32> to vector<16xf32>
      %add3A_381 = arith.addf %scan3A_314, %get3A_380 : vector<16xf32>
      %get3A_382 = arith.constant 10 : i32
      %get3A_383 = arith.index_cast %get3A_382 : i32 to index
      %get3A_384 = arith.index_cast %mul3A_322 : i32 to index
      %get3A_385 = tpu.vector_load %arg4[%get3A_383, %get3A_384] {strides = array<i32>} : memref<16x1280xf32, #tpu.memory_space<vmem>>, vector<1x16xf32>,
      %get3A_386 = vector.shape_cast %get3A_385 : vector<1x16xf32> to vector<16xf32>
      %add3A_387 = arith.addf %scan3A_315, %get3A_386 : vector<16xf32>
      %get3A_388 = arith.constant 11 : i32
      %get3A_389 = arith.index_cast %get3A_388 : i32 to index
      %get3A_390 = arith.index_cast %mul3A_322 : i32 to index
      %get3A_391 = tpu.vector_load %arg4[%get3A_389, %get3A_390] {strides = array<i32>} : memref<16x1280xf32, #tpu.memory_space<vmem>>, vector<1x16xf32>,
      %get3A_392 = vector.shape_cast %get3A_391 : vector<1x16xf32> to vector<16xf32>
      %add3A_393 = arith.addf %scan3A_316, %get3A_392 : vector<16xf32>
      %get3A_394 = arith.constant 12 : i32
      %get3A_395 = arith.index_cast %get3A_394 : i32 to index
      %get3A_396 = arith.index_cast %mul3A_322 : i32 to index
      %get3A_397 = tpu.vector_load %arg4[%get3A_395, %get3A_396] {strides = array<i32>} : memref<16x1280xf32, #tpu.memory_space<vmem>>, vector<1x16xf32>,
      %get3A_398 = vector.shape_cast %get3A_397 : vector<1x16xf32> to vector<16xf32>
      %add3A_399 = arith.addf %scan3A_317, %get3A_398 : vector<16xf32>
      %get3A_400 = arith.constant 13 : i32
      %get3A_401 = arith.index_cast %get3A_400 : i32 to index
      %get3A_402 = arith.index_cast %mul3A_322 : i32 to index
      %get3A_403 = tpu.vector_load %arg4[%get3A_401, %get3A_402] {strides = array<i32>} : memref<16x1280xf32, #tpu.memory_space<vmem>>, vector<1x16xf32>,
      %get3A_404 = vector.shape_cast %get3A_403 : vector<1x16xf32> to vector<16xf32>
      %add3A_405 = arith.addf %scan3A_318, %get3A_404 : vector<16xf32>
      %get3A_406 = arith.constant 14 : i32
      %get3A_407 = arith.index_cast %get3A_406 : i32 to index
      %get3A_408 = arith.index_cast %mul3A_322 : i32 to index
      %get3A_409 = tpu.vector_load %arg4[%get3A_407, %get3A_408] {strides = array<i32>} : memref<16x1280xf32, #tpu.memory_space<vmem>>, vector<1x16xf32>,
      %get3A_410 = vector.shape_cast %get3A_409 : vector<1x16xf32> to vector<16xf32>
      %add3A_411 = arith.addf %scan3A_319, %get3A_410 : vector<16xf32>
      %get3A_412 = arith.constant 15 : i32
      %get3A_413 = arith.index_cast %get3A_412 : i32 to index
      %get3A_414 = arith.index_cast %mul3A_322 : i32 to index
      %get3A_415 = tpu.vector_load %arg4[%get3A_413, %get3A_414] {strides = array<i32>} : memref<16x1280xf32, #tpu.memory_space<vmem>>, vector<1x16xf32>,
      %get3A_416 = vector.shape_cast %get3A_415 : vector<1x16xf32> to vector<16xf32>
      %add3A_417 = arith.addf %scan3A_320, %get3A_416 : vector<16xf32>
      scf.yield %add3A_327, %add3A_333, %add3A_339, %add3A_345, %add3A_351, %add3A_357, %add3A_363, %add3A_369, %add3A_375, %add3A_381, %add3A_387, %add3A_393, %add3A_399, %add3A_405, %add3A_411, %add3A_417 : vector<16xf32>, vector<16xf32>, vector<16xf32>, vector<16xf32>, vector<16xf32>, vector<16xf32>, vector<16xf32>, vector<16xf32>, vector<16xf32>, vector<16xf32>, vector<16xf32>, vector<16xf32>, vector<16xf32>, vector<16xf32>, vector<16xf32>, vector<16xf32>
    }
    %scan3A_158 = arith.constant 80 : i32
    %add3A_159 = arith.constant 160 : i32
    %add3A_160 = arith.addi %add3A, %add3A_159 : i32
    %mul3A_161 = arith.constant 1280 : i32
    %mul3A_162 = arith.muli %add3A_160, %mul3A_161 : i32
    %dma_wait3A_163 = arith.constant 0 : i32
    %dma_wait3A_164 = tpu.memref_slice %arg2[%dma_wait3A_163, %mul3A_162] : memref<16x320000xf32, #tpu.memory_space<hbm>> -> memref<16x1280xf32, #tpu.memory_space<hbm>>
    %dma_wait3A_165 = arith.constant 0 : i32
    %dma_wait3A_166 = tpu.memref_slice %arg2[%dma_wait3A_165, %mul3A_162] : memref<16x320000xf32, #tpu.memory_space<hbm>> -> memref<16x1280xf32, #tpu.memory_space<hbm>>
    tpu.wait_dma2 semaphore(%arg10 : memref<!tpu.dma_semaphore, #tpu.memory_space<semaphore_mem>>) src(%dma_wait3A_166 : memref<16x1280xf32, #tpu.memory_space<hbm>>) dst(%arg5 : memref<16x1280xf32, #tpu.memory_space<vmem>>)
    %scan3A_167 = arith.constant 0 : i32
    %scan3A_168 = arith.constant 80 : i32
    %scan3A_169 = arith.addi %scan3A_167, %scan3A_168 : i32
    %scan3A_170 = arith.constant 1 : i32
    %scan3A_171:16 = scf.for %scan3A_304 = %scan3A_167 to %scan3A_169 step %scan3A_170 iter_args(%scan3A_305 = %scan3A_157#0, %scan3A_306 = %scan3A_157#1, %scan3A_307 = %scan3A_157#2, %scan3A_308 = %scan3A_157#3, %scan3A_309 = %scan3A_157#4, %scan3A_310 = %scan3A_157#5, %scan3A_311 = %scan3A_157#6, %scan3A_312 = %scan3A_157#7, %scan3A_313 = %scan3A_157#8, %scan3A_314 = %scan3A_157#9, %scan3A_315 = %scan3A_157#10, %scan3A_316 = %scan3A_157#11, %scan3A_317 = %scan3A_157#12, %scan3A_318 = %scan3A_157#13, %scan3A_319 = %scan3A_157#14, %scan3A_320 = %scan3A_157#15) -> (vector<16xf32>, vector<16xf32>, vector<16xf32>, vector<16xf32>, vector<16xf32>, vector<16xf32>, vector<16xf32>, vector<16xf32>, vector<16xf32>, vector<16xf32>, vector<16xf32>, vector<16xf32>, vector<16xf32>, vector<16xf32>, vector<16xf32>, vector<16xf32>)  : i32 {
      %mul3A_321 = arith.constant 16 : i32
      %mul3A_322 = arith.muli %scan3A_304, %mul3A_321 : i32
      %get3A = arith.constant 0 : i32
      %get3A_323 = arith.index_cast %get3A : i32 to index
      %get3A_324 = arith.index_cast %mul3A_322 : i32 to index
      %get3A_325 = tpu.vector_load %arg5[%get3A_323, %get3A_324] {strides = array<i32>} : memref<16x1280xf32, #tpu.memory_space<vmem>>, vector<1x16xf32>,
      %get3A_326 = vector.shape_cast %get3A_325 : vector<1x16xf32> to vector<16xf32>
      %add3A_327 = arith.addf %scan3A_305, %get3A_326 : vector<16xf32>
      %get3A_328 = arith.constant 1 : i32
      %get3A_329 = arith.index_cast %get3A_328 : i32 to index
      %get3A_330 = arith.index_cast %mul3A_322 : i32 to index
      %get3A_331 = tpu.vector_load %arg5[%get3A_329, %get3A_330] {strides = array<i32>} : memref<16x1280xf32, #tpu.memory_space<vmem>>, vector<1x16xf32>,
      %get3A_332 = vector.shape_cast %get3A_331 : vector<1x16xf32> to vector<16xf32>
      %add3A_333 = arith.addf %scan3A_306, %get3A_332 : vector<16xf32>
      %get3A_334 = arith.constant 2 : i32
      %get3A_335 = arith.index_cast %get3A_334 : i32 to index
      %get3A_336 = arith.index_cast %mul3A_322 : i32 to index
      %get3A_337 = tpu.vector_load %arg5[%get3A_335, %get3A_336] {strides = array<i32>} : memref<16x1280xf32, #tpu.memory_space<vmem>>, vector<1x16xf32>,
      %get3A_338 = vector.shape_cast %get3A_337 : vector<1x16xf32> to vector<16xf32>
      %add3A_339 = arith.addf %scan3A_307, %get3A_338 : vector<16xf32>
      %get3A_340 = arith.constant 3 : i32
      %get3A_341 = arith.index_cast %get3A_340 : i32 to index
      %get3A_342 = arith.index_cast %mul3A_322 : i32 to index
      %get3A_343 = tpu.vector_load %arg5[%get3A_341, %get3A_342] {strides = array<i32>} : memref<16x1280xf32, #tpu.memory_space<vmem>>, vector<1x16xf32>,
      %get3A_344 = vector.shape_cast %get3A_343 : vector<1x16xf32> to vector<16xf32>
      %add3A_345 = arith.addf %scan3A_308, %get3A_344 : vector<16xf32>
      %get3A_346 = arith.constant 4 : i32
      %get3A_347 = arith.index_cast %get3A_346 : i32 to index
      %get3A_348 = arith.index_cast %mul3A_322 : i32 to index
      %get3A_349 = tpu.vector_load %arg5[%get3A_347, %get3A_348] {strides = array<i32>} : memref<16x1280xf32, #tpu.memory_space<vmem>>, vector<1x16xf32>,
      %get3A_350 = vector.shape_cast %get3A_349 : vector<1x16xf32> to vector<16xf32>
      %add3A_351 = arith.addf %scan3A_309, %get3A_350 : vector<16xf32>
      %get3A_352 = arith.constant 5 : i32
      %get3A_353 = arith.index_cast %get3A_352 : i32 to index
      %get3A_354 = arith.index_cast %mul3A_322 : i32 to index
      %get3A_355 = tpu.vector_load %arg5[%get3A_353, %get3A_354] {strides = array<i32>} : memref<16x1280xf32, #tpu.memory_space<vmem>>, vector<1x16xf32>,
      %get3A_356 = vector.shape_cast %get3A_355 : vector<1x16xf32> to vector<16xf32>
      %add3A_357 = arith.addf %scan3A_310, %get3A_356 : vector<16xf32>
      %get3A_358 = arith.constant 6 : i32
      %get3A_359 = arith.index_cast %get3A_358 : i32 to index
      %get3A_360 = arith.index_cast %mul3A_322 : i32 to index
      %get3A_361 = tpu.vector_load %arg5[%get3A_359, %get3A_360] {strides = array<i32>} : memref<16x1280xf32, #tpu.memory_space<vmem>>, vector<1x16xf32>,
      %get3A_362 = vector.shape_cast %get3A_361 : vector<1x16xf32> to vector<16xf32>
      %add3A_363 = arith.addf %scan3A_311, %get3A_362 : vector<16xf32>
      %get3A_364 = arith.constant 7 : i32
      %get3A_365 = arith.index_cast %get3A_364 : i32 to index
      %get3A_366 = arith.index_cast %mul3A_322 : i32 to index
      %get3A_367 = tpu.vector_load %arg5[%get3A_365, %get3A_366] {strides = array<i32>} : memref<16x1280xf32, #tpu.memory_space<vmem>>, vector<1x16xf32>,
      %get3A_368 = vector.shape_cast %get3A_367 : vector<1x16xf32> to vector<16xf32>
      %add3A_369 = arith.addf %scan3A_312, %get3A_368 : vector<16xf32>
      %get3A_370 = arith.constant 8 : i32
      %get3A_371 = arith.index_cast %get3A_370 : i32 to index
      %get3A_372 = arith.index_cast %mul3A_322 : i32 to index
      %get3A_373 = tpu.vector_load %arg5[%get3A_371, %get3A_372] {strides = array<i32>} : memref<16x1280xf32, #tpu.memory_space<vmem>>, vector<1x16xf32>,
      %get3A_374 = vector.shape_cast %get3A_373 : vector<1x16xf32> to vector<16xf32>
      %add3A_375 = arith.addf %scan3A_313, %get3A_374 : vector<16xf32>
      %get3A_376 = arith.constant 9 : i32
      %get3A_377 = arith.index_cast %get3A_376 : i32 to index
      %get3A_378 = arith.index_cast %mul3A_322 : i32 to index
      %get3A_379 = tpu.vector_load %arg5[%get3A_377, %get3A_378] {strides = array<i32>} : memref<16x1280xf32, #tpu.memory_space<vmem>>, vector<1x16xf32>,
      %get3A_380 = vector.shape_cast %get3A_379 : vector<1x16xf32> to vector<16xf32>
      %add3A_381 = arith.addf %scan3A_314, %get3A_380 : vector<16xf32>
      %get3A_382 = arith.constant 10 : i32
      %get3A_383 = arith.index_cast %get3A_382 : i32 to index
      %get3A_384 = arith.index_cast %mul3A_322 : i32 to index
      %get3A_385 = tpu.vector_load %arg5[%get3A_383, %get3A_384] {strides = array<i32>} : memref<16x1280xf32, #tpu.memory_space<vmem>>, vector<1x16xf32>,
      %get3A_386 = vector.shape_cast %get3A_385 : vector<1x16xf32> to vector<16xf32>
      %add3A_387 = arith.addf %scan3A_315, %get3A_386 : vector<16xf32>
      %get3A_388 = arith.constant 11 : i32
      %get3A_389 = arith.index_cast %get3A_388 : i32 to index
      %get3A_390 = arith.index_cast %mul3A_322 : i32 to index
      %get3A_391 = tpu.vector_load %arg5[%get3A_389, %get3A_390] {strides = array<i32>} : memref<16x1280xf32, #tpu.memory_space<vmem>>, vector<1x16xf32>,
      %get3A_392 = vector.shape_cast %get3A_391 : vector<1x16xf32> to vector<16xf32>
      %add3A_393 = arith.addf %scan3A_316, %get3A_392 : vector<16xf32>
      %get3A_394 = arith.constant 12 : i32
      %get3A_395 = arith.index_cast %get3A_394 : i32 to index
      %get3A_396 = arith.index_cast %mul3A_322 : i32 to index
      %get3A_397 = tpu.vector_load %arg5[%get3A_395, %get3A_396] {strides = array<i32>} : memref<16x1280xf32, #tpu.memory_space<vmem>>, vector<1x16xf32>,
      %get3A_398 = vector.shape_cast %get3A_397 : vector<1x16xf32> to vector<16xf32>
      %add3A_399 = arith.addf %scan3A_317, %get3A_398 : vector<16xf32>
      %get3A_400 = arith.constant 13 : i32
      %get3A_401 = arith.index_cast %get3A_400 : i32 to index
      %get3A_402 = arith.index_cast %mul3A_322 : i32 to index
      %get3A_403 = tpu.vector_load %arg5[%get3A_401, %get3A_402] {strides = array<i32>} : memref<16x1280xf32, #tpu.memory_space<vmem>>, vector<1x16xf32>,
      %get3A_404 = vector.shape_cast %get3A_403 : vector<1x16xf32> to vector<16xf32>
      %add3A_405 = arith.addf %scan3A_318, %get3A_404 : vector<16xf32>
      %get3A_406 = arith.constant 14 : i32
      %get3A_407 = arith.index_cast %get3A_406 : i32 to index
      %get3A_408 = arith.index_cast %mul3A_322 : i32 to index
      %get3A_409 = tpu.vector_load %arg5[%get3A_407, %get3A_408] {strides = array<i32>} : memref<16x1280xf32, #tpu.memory_space<vmem>>, vector<1x16xf32>,
      %get3A_410 = vector.shape_cast %get3A_409 : vector<1x16xf32> to vector<16xf32>
      %add3A_411 = arith.addf %scan3A_319, %get3A_410 : vector<16xf32>
      %get3A_412 = arith.constant 15 : i32
      %get3A_413 = arith.index_cast %get3A_412 : i32 to index
      %get3A_414 = arith.index_cast %mul3A_322 : i32 to index
      %get3A_415 = tpu.vector_load %arg5[%get3A_413, %get3A_414] {strides = array<i32>} : memref<16x1280xf32, #tpu.memory_space<vmem>>, vector<1x16xf32>,
      %get3A_416 = vector.shape_cast %get3A_415 : vector<1x16xf32> to vector<16xf32>
      %add3A_417 = arith.addf %scan3A_320, %get3A_416 : vector<16xf32>
      scf.yield %add3A_327, %add3A_333, %add3A_339, %add3A_345, %add3A_351, %add3A_357, %add3A_363, %add3A_369, %add3A_375, %add3A_381, %add3A_387, %add3A_393, %add3A_399, %add3A_405, %add3A_411, %add3A_417 : vector<16xf32>, vector<16xf32>, vector<16xf32>, vector<16xf32>, vector<16xf32>, vector<16xf32>, vector<16xf32>, vector<16xf32>, vector<16xf32>, vector<16xf32>, vector<16xf32>, vector<16xf32>, vector<16xf32>, vector<16xf32>, vector<16xf32>, vector<16xf32>
    }
    %scan3A_172 = arith.constant 80 : i32
    %add3A_173 = arith.constant 192 : i32
    %add3A_174 = arith.addi %add3A, %add3A_173 : i32
    %mul3A_175 = arith.constant 1280 : i32
    %mul3A_176 = arith.muli %add3A_174, %mul3A_175 : i32
    %dma_wait3A_177 = arith.constant 0 : i32
    %dma_wait3A_178 = tpu.memref_slice %arg2[%dma_wait3A_177, %mul3A_176] : memref<16x320000xf32, #tpu.memory_space<hbm>> -> memref<16x1280xf32, #tpu.memory_space<hbm>>
    %dma_wait3A_179 = arith.constant 0 : i32
    %dma_wait3A_180 = tpu.memref_slice %arg2[%dma_wait3A_179, %mul3A_176] : memref<16x320000xf32, #tpu.memory_space<hbm>> -> memref<16x1280xf32, #tpu.memory_space<hbm>>
    tpu.wait_dma2 semaphore(%arg11 : memref<!tpu.dma_semaphore, #tpu.memory_space<semaphore_mem>>) src(%dma_wait3A_180 : memref<16x1280xf32, #tpu.memory_space<hbm>>) dst(%arg6 : memref<16x1280xf32, #tpu.memory_space<vmem>>)
    %scan3A_181 = arith.constant 0 : i32
    %scan3A_182 = arith.constant 80 : i32
    %scan3A_183 = arith.addi %scan3A_181, %scan3A_182 : i32
    %scan3A_184 = arith.constant 1 : i32
    %scan3A_185:16 = scf.for %scan3A_304 = %scan3A_181 to %scan3A_183 step %scan3A_184 iter_args(%scan3A_305 = %scan3A_171#0, %scan3A_306 = %scan3A_171#1, %scan3A_307 = %scan3A_171#2, %scan3A_308 = %scan3A_171#3, %scan3A_309 = %scan3A_171#4, %scan3A_310 = %scan3A_171#5, %scan3A_311 = %scan3A_171#6, %scan3A_312 = %scan3A_171#7, %scan3A_313 = %scan3A_171#8, %scan3A_314 = %scan3A_171#9, %scan3A_315 = %scan3A_171#10, %scan3A_316 = %scan3A_171#11, %scan3A_317 = %scan3A_171#12, %scan3A_318 = %scan3A_171#13, %scan3A_319 = %scan3A_171#14, %scan3A_320 = %scan3A_171#15) -> (vector<16xf32>, vector<16xf32>, vector<16xf32>, vector<16xf32>, vector<16xf32>, vector<16xf32>, vector<16xf32>, vector<16xf32>, vector<16xf32>, vector<16xf32>, vector<16xf32>, vector<16xf32>, vector<16xf32>, vector<16xf32>, vector<16xf32>, vector<16xf32>)  : i32 {
      %mul3A_321 = arith.constant 16 : i32
      %mul3A_322 = arith.muli %scan3A_304, %mul3A_321 : i32
      %get3A = arith.constant 0 : i32
      %get3A_323 = arith.index_cast %get3A : i32 to index
      %get3A_324 = arith.index_cast %mul3A_322 : i32 to index
      %get3A_325 = tpu.vector_load %arg6[%get3A_323, %get3A_324] {strides = array<i32>} : memref<16x1280xf32, #tpu.memory_space<vmem>>, vector<1x16xf32>,
      %get3A_326 = vector.shape_cast %get3A_325 : vector<1x16xf32> to vector<16xf32>
      %add3A_327 = arith.addf %scan3A_305, %get3A_326 : vector<16xf32>
      %get3A_328 = arith.constant 1 : i32
      %get3A_329 = arith.index_cast %get3A_328 : i32 to index
      %get3A_330 = arith.index_cast %mul3A_322 : i32 to index
      %get3A_331 = tpu.vector_load %arg6[%get3A_329, %get3A_330] {strides = array<i32>} : memref<16x1280xf32, #tpu.memory_space<vmem>>, vector<1x16xf32>,
      %get3A_332 = vector.shape_cast %get3A_331 : vector<1x16xf32> to vector<16xf32>
      %add3A_333 = arith.addf %scan3A_306, %get3A_332 : vector<16xf32>
      %get3A_334 = arith.constant 2 : i32
      %get3A_335 = arith.index_cast %get3A_334 : i32 to index
      %get3A_336 = arith.index_cast %mul3A_322 : i32 to index
      %get3A_337 = tpu.vector_load %arg6[%get3A_335, %get3A_336] {strides = array<i32>} : memref<16x1280xf32, #tpu.memory_space<vmem>>, vector<1x16xf32>,
      %get3A_338 = vector.shape_cast %get3A_337 : vector<1x16xf32> to vector<16xf32>
      %add3A_339 = arith.addf %scan3A_307, %get3A_338 : vector<16xf32>
      %get3A_340 = arith.constant 3 : i32
      %get3A_341 = arith.index_cast %get3A_340 : i32 to index
      %get3A_342 = arith.index_cast %mul3A_322 : i32 to index
      %get3A_343 = tpu.vector_load %arg6[%get3A_341, %get3A_342] {strides = array<i32>} : memref<16x1280xf32, #tpu.memory_space<vmem>>, vector<1x16xf32>,
      %get3A_344 = vector.shape_cast %get3A_343 : vector<1x16xf32> to vector<16xf32>
      %add3A_345 = arith.addf %scan3A_308, %get3A_344 : vector<16xf32>
      %get3A_346 = arith.constant 4 : i32
      %get3A_347 = arith.index_cast %get3A_346 : i32 to index
      %get3A_348 = arith.index_cast %mul3A_322 : i32 to index
      %get3A_349 = tpu.vector_load %arg6[%get3A_347, %get3A_348] {strides = array<i32>} : memref<16x1280xf32, #tpu.memory_space<vmem>>, vector<1x16xf32>,
      %get3A_350 = vector.shape_cast %get3A_349 : vector<1x16xf32> to vector<16xf32>
      %add3A_351 = arith.addf %scan3A_309, %get3A_350 : vector<16xf32>
      %get3A_352 = arith.constant 5 : i32
      %get3A_353 = arith.index_cast %get3A_352 : i32 to index
      %get3A_354 = arith.index_cast %mul3A_322 : i32 to index
      %get3A_355 = tpu.vector_load %arg6[%get3A_353, %get3A_354] {strides = array<i32>} : memref<16x1280xf32, #tpu.memory_space<vmem>>, vector<1x16xf32>,
      %get3A_356 = vector.shape_cast %get3A_355 : vector<1x16xf32> to vector<16xf32>
      %add3A_357 = arith.addf %scan3A_310, %get3A_356 : vector<16xf32>
      %get3A_358 = arith.constant 6 : i32
      %get3A_359 = arith.index_cast %get3A_358 : i32 to index
      %get3A_360 = arith.index_cast %mul3A_322 : i32 to index
      %get3A_361 = tpu.vector_load %arg6[%get3A_359, %get3A_360] {strides = array<i32>} : memref<16x1280xf32, #tpu.memory_space<vmem>>, vector<1x16xf32>,
      %get3A_362 = vector.shape_cast %get3A_361 : vector<1x16xf32> to vector<16xf32>
      %add3A_363 = arith.addf %scan3A_311, %get3A_362 : vector<16xf32>
      %get3A_364 = arith.constant 7 : i32
      %get3A_365 = arith.index_cast %get3A_364 : i32 to index
      %get3A_366 = arith.index_cast %mul3A_322 : i32 to index
      %get3A_367 = tpu.vector_load %arg6[%get3A_365, %get3A_366] {strides = array<i32>} : memref<16x1280xf32, #tpu.memory_space<vmem>>, vector<1x16xf32>,
      %get3A_368 = vector.shape_cast %get3A_367 : vector<1x16xf32> to vector<16xf32>
      %add3A_369 = arith.addf %scan3A_312, %get3A_368 : vector<16xf32>
      %get3A_370 = arith.constant 8 : i32
      %get3A_371 = arith.index_cast %get3A_370 : i32 to index
      %get3A_372 = arith.index_cast %mul3A_322 : i32 to index
      %get3A_373 = tpu.vector_load %arg6[%get3A_371, %get3A_372] {strides = array<i32>} : memref<16x1280xf32, #tpu.memory_space<vmem>>, vector<1x16xf32>,
      %get3A_374 = vector.shape_cast %get3A_373 : vector<1x16xf32> to vector<16xf32>
      %add3A_375 = arith.addf %scan3A_313, %get3A_374 : vector<16xf32>
      %get3A_376 = arith.constant 9 : i32
      %get3A_377 = arith.index_cast %get3A_376 : i32 to index
      %get3A_378 = arith.index_cast %mul3A_322 : i32 to index
      %get3A_379 = tpu.vector_load %arg6[%get3A_377, %get3A_378] {strides = array<i32>} : memref<16x1280xf32, #tpu.memory_space<vmem>>, vector<1x16xf32>,
      %get3A_380 = vector.shape_cast %get3A_379 : vector<1x16xf32> to vector<16xf32>
      %add3A_381 = arith.addf %scan3A_314, %get3A_380 : vector<16xf32>
      %get3A_382 = arith.constant 10 : i32
      %get3A_383 = arith.index_cast %get3A_382 : i32 to index
      %get3A_384 = arith.index_cast %mul3A_322 : i32 to index
      %get3A_385 = tpu.vector_load %arg6[%get3A_383, %get3A_384] {strides = array<i32>} : memref<16x1280xf32, #tpu.memory_space<vmem>>, vector<1x16xf32>,
      %get3A_386 = vector.shape_cast %get3A_385 : vector<1x16xf32> to vector<16xf32>
      %add3A_387 = arith.addf %scan3A_315, %get3A_386 : vector<16xf32>
      %get3A_388 = arith.constant 11 : i32
      %get3A_389 = arith.index_cast %get3A_388 : i32 to index
      %get3A_390 = arith.index_cast %mul3A_322 : i32 to index
      %get3A_391 = tpu.vector_load %arg6[%get3A_389, %get3A_390] {strides = array<i32>} : memref<16x1280xf32, #tpu.memory_space<vmem>>, vector<1x16xf32>,
      %get3A_392 = vector.shape_cast %get3A_391 : vector<1x16xf32> to vector<16xf32>
      %add3A_393 = arith.addf %scan3A_316, %get3A_392 : vector<16xf32>
      %get3A_394 = arith.constant 12 : i32
      %get3A_395 = arith.index_cast %get3A_394 : i32 to index
      %get3A_396 = arith.index_cast %mul3A_322 : i32 to index
      %get3A_397 = tpu.vector_load %arg6[%get3A_395, %get3A_396] {strides = array<i32>} : memref<16x1280xf32, #tpu.memory_space<vmem>>, vector<1x16xf32>,
      %get3A_398 = vector.shape_cast %get3A_397 : vector<1x16xf32> to vector<16xf32>
      %add3A_399 = arith.addf %scan3A_317, %get3A_398 : vector<16xf32>
      %get3A_400 = arith.constant 13 : i32
      %get3A_401 = arith.index_cast %get3A_400 : i32 to index
      %get3A_402 = arith.index_cast %mul3A_322 : i32 to index
      %get3A_403 = tpu.vector_load %arg6[%get3A_401, %get3A_402] {strides = array<i32>} : memref<16x1280xf32, #tpu.memory_space<vmem>>, vector<1x16xf32>,
      %get3A_404 = vector.shape_cast %get3A_403 : vector<1x16xf32> to vector<16xf32>
      %add3A_405 = arith.addf %scan3A_318, %get3A_404 : vector<16xf32>
      %get3A_406 = arith.constant 14 : i32
      %get3A_407 = arith.index_cast %get3A_406 : i32 to index
      %get3A_408 = arith.index_cast %mul3A_322 : i32 to index
      %get3A_409 = tpu.vector_load %arg6[%get3A_407, %get3A_408] {strides = array<i32>} : memref<16x1280xf32, #tpu.memory_space<vmem>>, vector<1x16xf32>,
      %get3A_410 = vector.shape_cast %get3A_409 : vector<1x16xf32> to vector<16xf32>
      %add3A_411 = arith.addf %scan3A_319, %get3A_410 : vector<16xf32>
      %get3A_412 = arith.constant 15 : i32
      %get3A_413 = arith.index_cast %get3A_412 : i32 to index
      %get3A_414 = arith.index_cast %mul3A_322 : i32 to index
      %get3A_415 = tpu.vector_load %arg6[%get3A_413, %get3A_414] {strides = array<i32>} : memref<16x1280xf32, #tpu.memory_space<vmem>>, vector<1x16xf32>,
      %get3A_416 = vector.shape_cast %get3A_415 : vector<1x16xf32> to vector<16xf32>
      %add3A_417 = arith.addf %scan3A_320, %get3A_416 : vector<16xf32>
      scf.yield %add3A_327, %add3A_333, %add3A_339, %add3A_345, %add3A_351, %add3A_357, %add3A_363, %add3A_369, %add3A_375, %add3A_381, %add3A_387, %add3A_393, %add3A_399, %add3A_405, %add3A_411, %add3A_417 : vector<16xf32>, vector<16xf32>, vector<16xf32>, vector<16xf32>, vector<16xf32>, vector<16xf32>, vector<16xf32>, vector<16xf32>, vector<16xf32>, vector<16xf32>, vector<16xf32>, vector<16xf32>, vector<16xf32>, vector<16xf32>, vector<16xf32>, vector<16xf32>
    }
    %scan3A_186 = arith.constant 80 : i32
    %add3A_187 = arith.constant 224 : i32
    %add3A_188 = arith.addi %add3A, %add3A_187 : i32
    %lt3A_189 = arith.constant 250 : i32
    %lt3A_190 = arith.cmpi slt, %add3A_188, %lt3A_189 : i32
    %convert_element_type3A_191 = arith.extui %lt3A_190 : i1 to i32
    %cond3A_192 = arith.constant 0 : i32
    %cond3A_193 = arith.cmpi ne, %convert_element_type3A_191, %cond3A_192 : i32
    scf.if %cond3A_193 {
      %add3A_304 = arith.constant 224 : i32
      %add3A_305 = arith.addi %add3A, %add3A_304 : i32
      %mul3A_306 = arith.constant 1280 : i32
      %mul3A_307 = arith.muli %add3A_305, %mul3A_306 : i32
      %dma_wait3A_308 = arith.constant 0 : i32
      %dma_wait3A_309 = tpu.memref_slice %arg2[%dma_wait3A_308, %mul3A_307] : memref<16x320000xf32, #tpu.memory_space<hbm>> -> memref<16x1280xf32, #tpu.memory_space<hbm>>
      %dma_wait3A_310 = arith.constant 0 : i32
      %dma_wait3A_311 = tpu.memref_slice %arg2[%dma_wait3A_310, %mul3A_307] : memref<16x320000xf32, #tpu.memory_space<hbm>> -> memref<16x1280xf32, #tpu.memory_space<hbm>>
      tpu.wait_dma2 semaphore(%arg12 : memref<!tpu.dma_semaphore, #tpu.memory_space<semaphore_mem>>) src(%dma_wait3A_311 : memref<16x1280xf32, #tpu.memory_space<hbm>>) dst(%arg7 : memref<16x1280xf32, #tpu.memory_space<vmem>>)
    } else {
    }
    %add3A_194 = arith.constant 224 : i32
    %add3A_195 = arith.addi %add3A, %add3A_194 : i32
    %lt3A_196 = arith.constant 250 : i32
    %lt3A_197 = arith.cmpi slt, %add3A_195, %lt3A_196 : i32
    %jit3A = arith.constant 80 : i32
    %jit3A_198 = arith.constant 0 : i32
    %select_n3A = arith.select %lt3A_197, %jit3A, %jit3A_198 : i32
    %while3A = arith.constant 0 : i32
    %while3A_199 = arith.subi %select_n3A, %while3A : i32
    %while3A_200 = arith.addi %while3A, %while3A_199 : i32
    %while3A_201 = arith.constant 1 : i32
    %while3A_202 = arith.divsi %while3A_199, %while3A_201 : i32
    %while3A_203 = arith.muli %while3A_202, %while3A_201 : i32
    %while3A_204 = arith.addi %while3A, %while3A_203 : i32
    %while3A_205 = arith.constant 1 : i32
    %while3A_206:16 = scf.for %while3A_304 = %while3A to %while3A_204 step %while3A_205 iter_args(%while3A_305 = %scan3A_185#0, %while3A_306 = %scan3A_185#1, %while3A_307 = %scan3A_185#2, %while3A_308 = %scan3A_185#3, %while3A_309 = %scan3A_185#4, %while3A_310 = %scan3A_185#5, %while3A_311 = %scan3A_185#6, %while3A_312 = %scan3A_185#7, %while3A_313 = %scan3A_185#8, %while3A_314 = %scan3A_185#9, %while3A_315 = %scan3A_185#10, %while3A_316 = %scan3A_185#11, %while3A_317 = %scan3A_185#12, %while3A_318 = %scan3A_185#13, %while3A_319 = %scan3A_185#14, %while3A_320 = %scan3A_185#15) -> (vector<16xf32>, vector<16xf32>, vector<16xf32>, vector<16xf32>, vector<16xf32>, vector<16xf32>, vector<16xf32>, vector<16xf32>, vector<16xf32>, vector<16xf32>, vector<16xf32>, vector<16xf32>, vector<16xf32>, vector<16xf32>, vector<16xf32>, vector<16xf32>)  : i32 {
      %mul3A_321 = arith.constant 16 : i32
      %mul3A_322 = arith.muli %while3A_304, %mul3A_321 : i32
      %get3A = arith.constant 0 : i32
      %get3A_323 = arith.index_cast %get3A : i32 to index
      %get3A_324 = arith.index_cast %mul3A_322 : i32 to index
      %get3A_325 = tpu.vector_load %arg7[%get3A_323, %get3A_324] {strides = array<i32>} : memref<16x1280xf32, #tpu.memory_space<vmem>>, vector<1x16xf32>,
      %get3A_326 = vector.shape_cast %get3A_325 : vector<1x16xf32> to vector<16xf32>
      %add3A_327 = arith.addf %while3A_305, %get3A_326 : vector<16xf32>
      %get3A_328 = arith.constant 1 : i32
      %get3A_329 = arith.index_cast %get3A_328 : i32 to index
      %get3A_330 = arith.index_cast %mul3A_322 : i32 to index
      %get3A_331 = tpu.vector_load %arg7[%get3A_329, %get3A_330] {strides = array<i32>} : memref<16x1280xf32, #tpu.memory_space<vmem>>, vector<1x16xf32>,
      %get3A_332 = vector.shape_cast %get3A_331 : vector<1x16xf32> to vector<16xf32>
      %add3A_333 = arith.addf %while3A_306, %get3A_332 : vector<16xf32>
      %get3A_334 = arith.constant 2 : i32
      %get3A_335 = arith.index_cast %get3A_334 : i32 to index
      %get3A_336 = arith.index_cast %mul3A_322 : i32 to index
      %get3A_337 = tpu.vector_load %arg7[%get3A_335, %get3A_336] {strides = array<i32>} : memref<16x1280xf32, #tpu.memory_space<vmem>>, vector<1x16xf32>,
      %get3A_338 = vector.shape_cast %get3A_337 : vector<1x16xf32> to vector<16xf32>
      %add3A_339 = arith.addf %while3A_307, %get3A_338 : vector<16xf32>
      %get3A_340 = arith.constant 3 : i32
      %get3A_341 = arith.index_cast %get3A_340 : i32 to index
      %get3A_342 = arith.index_cast %mul3A_322 : i32 to index
      %get3A_343 = tpu.vector_load %arg7[%get3A_341, %get3A_342] {strides = array<i32>} : memref<16x1280xf32, #tpu.memory_space<vmem>>, vector<1x16xf32>,
      %get3A_344 = vector.shape_cast %get3A_343 : vector<1x16xf32> to vector<16xf32>
      %add3A_345 = arith.addf %while3A_308, %get3A_344 : vector<16xf32>
      %get3A_346 = arith.constant 4 : i32
      %get3A_347 = arith.index_cast %get3A_346 : i32 to index
      %get3A_348 = arith.index_cast %mul3A_322 : i32 to index
      %get3A_349 = tpu.vector_load %arg7[%get3A_347, %get3A_348] {strides = array<i32>} : memref<16x1280xf32, #tpu.memory_space<vmem>>, vector<1x16xf32>,
      %get3A_350 = vector.shape_cast %get3A_349 : vector<1x16xf32> to vector<16xf32>
      %add3A_351 = arith.addf %while3A_309, %get3A_350 : vector<16xf32>
      %get3A_352 = arith.constant 5 : i32
      %get3A_353 = arith.index_cast %get3A_352 : i32 to index
      %get3A_354 = arith.index_cast %mul3A_322 : i32 to index
      %get3A_355 = tpu.vector_load %arg7[%get3A_353, %get3A_354] {strides = array<i32>} : memref<16x1280xf32, #tpu.memory_space<vmem>>, vector<1x16xf32>,
      %get3A_356 = vector.shape_cast %get3A_355 : vector<1x16xf32> to vector<16xf32>
      %add3A_357 = arith.addf %while3A_310, %get3A_356 : vector<16xf32>
      %get3A_358 = arith.constant 6 : i32
      %get3A_359 = arith.index_cast %get3A_358 : i32 to index
      %get3A_360 = arith.index_cast %mul3A_322 : i32 to index
      %get3A_361 = tpu.vector_load %arg7[%get3A_359, %get3A_360] {strides = array<i32>} : memref<16x1280xf32, #tpu.memory_space<vmem>>, vector<1x16xf32>,
      %get3A_362 = vector.shape_cast %get3A_361 : vector<1x16xf32> to vector<16xf32>
      %add3A_363 = arith.addf %while3A_311, %get3A_362 : vector<16xf32>
      %get3A_364 = arith.constant 7 : i32
      %get3A_365 = arith.index_cast %get3A_364 : i32 to index
      %get3A_366 = arith.index_cast %mul3A_322 : i32 to index
      %get3A_367 = tpu.vector_load %arg7[%get3A_365, %get3A_366] {strides = array<i32>} : memref<16x1280xf32, #tpu.memory_space<vmem>>, vector<1x16xf32>,
      %get3A_368 = vector.shape_cast %get3A_367 : vector<1x16xf32> to vector<16xf32>
      %add3A_369 = arith.addf %while3A_312, %get3A_368 : vector<16xf32>
      %get3A_370 = arith.constant 8 : i32
      %get3A_371 = arith.index_cast %get3A_370 : i32 to index
      %get3A_372 = arith.index_cast %mul3A_322 : i32 to index
      %get3A_373 = tpu.vector_load %arg7[%get3A_371, %get3A_372] {strides = array<i32>} : memref<16x1280xf32, #tpu.memory_space<vmem>>, vector<1x16xf32>,
      %get3A_374 = vector.shape_cast %get3A_373 : vector<1x16xf32> to vector<16xf32>
      %add3A_375 = arith.addf %while3A_313, %get3A_374 : vector<16xf32>
      %get3A_376 = arith.constant 9 : i32
      %get3A_377 = arith.index_cast %get3A_376 : i32 to index
      %get3A_378 = arith.index_cast %mul3A_322 : i32 to index
      %get3A_379 = tpu.vector_load %arg7[%get3A_377, %get3A_378] {strides = array<i32>} : memref<16x1280xf32, #tpu.memory_space<vmem>>, vector<1x16xf32>,
      %get3A_380 = vector.shape_cast %get3A_379 : vector<1x16xf32> to vector<16xf32>
      %add3A_381 = arith.addf %while3A_314, %get3A_380 : vector<16xf32>
      %get3A_382 = arith.constant 10 : i32
      %get3A_383 = arith.index_cast %get3A_382 : i32 to index
      %get3A_384 = arith.index_cast %mul3A_322 : i32 to index
      %get3A_385 = tpu.vector_load %arg7[%get3A_383, %get3A_384] {strides = array<i32>} : memref<16x1280xf32, #tpu.memory_space<vmem>>, vector<1x16xf32>,
      %get3A_386 = vector.shape_cast %get3A_385 : vector<1x16xf32> to vector<16xf32>
      %add3A_387 = arith.addf %while3A_315, %get3A_386 : vector<16xf32>
      %get3A_388 = arith.constant 11 : i32
      %get3A_389 = arith.index_cast %get3A_388 : i32 to index
      %get3A_390 = arith.index_cast %mul3A_322 : i32 to index
      %get3A_391 = tpu.vector_load %arg7[%get3A_389, %get3A_390] {strides = array<i32>} : memref<16x1280xf32, #tpu.memory_space<vmem>>, vector<1x16xf32>,
      %get3A_392 = vector.shape_cast %get3A_391 : vector<1x16xf32> to vector<16xf32>
      %add3A_393 = arith.addf %while3A_316, %get3A_392 : vector<16xf32>
      %get3A_394 = arith.constant 12 : i32
      %get3A_395 = arith.index_cast %get3A_394 : i32 to index
      %get3A_396 = arith.index_cast %mul3A_322 : i32 to index
      %get3A_397 = tpu.vector_load %arg7[%get3A_395, %get3A_396] {strides = array<i32>} : memref<16x1280xf32, #tpu.memory_space<vmem>>, vector<1x16xf32>,
      %get3A_398 = vector.shape_cast %get3A_397 : vector<1x16xf32> to vector<16xf32>
      %add3A_399 = arith.addf %while3A_317, %get3A_398 : vector<16xf32>
      %get3A_400 = arith.constant 13 : i32
      %get3A_401 = arith.index_cast %get3A_400 : i32 to index
      %get3A_402 = arith.index_cast %mul3A_322 : i32 to index
      %get3A_403 = tpu.vector_load %arg7[%get3A_401, %get3A_402] {strides = array<i32>} : memref<16x1280xf32, #tpu.memory_space<vmem>>, vector<1x16xf32>,
      %get3A_404 = vector.shape_cast %get3A_403 : vector<1x16xf32> to vector<16xf32>
      %add3A_405 = arith.addf %while3A_318, %get3A_404 : vector<16xf32>
      %get3A_406 = arith.constant 14 : i32
      %get3A_407 = arith.index_cast %get3A_406 : i32 to index
      %get3A_408 = arith.index_cast %mul3A_322 : i32 to index
      %get3A_409 = tpu.vector_load %arg7[%get3A_407, %get3A_408] {strides = array<i32>} : memref<16x1280xf32, #tpu.memory_space<vmem>>, vector<1x16xf32>,
      %get3A_410 = vector.shape_cast %get3A_409 : vector<1x16xf32> to vector<16xf32>
      %add3A_411 = arith.addf %while3A_319, %get3A_410 : vector<16xf32>
      %get3A_412 = arith.constant 15 : i32
      %get3A_413 = arith.index_cast %get3A_412 : i32 to index
      %get3A_414 = arith.index_cast %mul3A_322 : i32 to index
      %get3A_415 = tpu.vector_load %arg7[%get3A_413, %get3A_414] {strides = array<i32>} : memref<16x1280xf32, #tpu.memory_space<vmem>>, vector<1x16xf32>,
      %get3A_416 = vector.shape_cast %get3A_415 : vector<1x16xf32> to vector<16xf32>
      %add3A_417 = arith.addf %while3A_320, %get3A_416 : vector<16xf32>
      scf.yield %add3A_327, %add3A_333, %add3A_339, %add3A_345, %add3A_351, %add3A_357, %add3A_363, %add3A_369, %add3A_375, %add3A_381, %add3A_387, %add3A_393, %add3A_399, %add3A_405, %add3A_411, %add3A_417 : vector<16xf32>, vector<16xf32>, vector<16xf32>, vector<16xf32>, vector<16xf32>, vector<16xf32>, vector<16xf32>, vector<16xf32>, vector<16xf32>, vector<16xf32>, vector<16xf32>, vector<16xf32>, vector<16xf32>, vector<16xf32>, vector<16xf32>, vector<16xf32>
    }
    %while3A_207 = arith.constant 1 : i32
    %while3A_208:16 = scf.for %while3A_304 = %while3A_204 to %while3A_200 step %while3A_207 iter_args(%while3A_305 = %while3A_206#0, %while3A_306 = %while3A_206#1, %while3A_307 = %while3A_206#2, %while3A_308 = %while3A_206#3, %while3A_309 = %while3A_206#4, %while3A_310 = %while3A_206#5, %while3A_311 = %while3A_206#6, %while3A_312 = %while3A_206#7, %while3A_313 = %while3A_206#8, %while3A_314 = %while3A_206#9, %while3A_315 = %while3A_206#10, %while3A_316 = %while3A_206#11, %while3A_317 = %while3A_206#12, %while3A_318 = %while3A_206#13, %while3A_319 = %while3A_206#14, %while3A_320 = %while3A_206#15) -> (vector<16xf32>, vector<16xf32>, vector<16xf32>, vector<16xf32>, vector<16xf32>, vector<16xf32>, vector<16xf32>, vector<16xf32>, vector<16xf32>, vector<16xf32>, vector<16xf32>, vector<16xf32>, vector<16xf32>, vector<16xf32>, vector<16xf32>, vector<16xf32>)  : i32 {
      %mul3A_321 = arith.constant 16 : i32
      %mul3A_322 = arith.muli %while3A_304, %mul3A_321 : i32
      %get3A = arith.constant 0 : i32
      %get3A_323 = arith.index_cast %get3A : i32 to index
      %get3A_324 = arith.index_cast %mul3A_322 : i32 to index
      %get3A_325 = tpu.vector_load %arg7[%get3A_323, %get3A_324] {strides = array<i32>} : memref<16x1280xf32, #tpu.memory_space<vmem>>, vector<1x16xf32>,
      %get3A_326 = vector.shape_cast %get3A_325 : vector<1x16xf32> to vector<16xf32>
      %add3A_327 = arith.addf %while3A_305, %get3A_326 : vector<16xf32>
      %get3A_328 = arith.constant 1 : i32
      %get3A_329 = arith.index_cast %get3A_328 : i32 to index
      %get3A_330 = arith.index_cast %mul3A_322 : i32 to index
      %get3A_331 = tpu.vector_load %arg7[%get3A_329, %get3A_330] {strides = array<i32>} : memref<16x1280xf32, #tpu.memory_space<vmem>>, vector<1x16xf32>,
      %get3A_332 = vector.shape_cast %get3A_331 : vector<1x16xf32> to vector<16xf32>
      %add3A_333 = arith.addf %while3A_306, %get3A_332 : vector<16xf32>
      %get3A_334 = arith.constant 2 : i32
      %get3A_335 = arith.index_cast %get3A_334 : i32 to index
      %get3A_336 = arith.index_cast %mul3A_322 : i32 to index
      %get3A_337 = tpu.vector_load %arg7[%get3A_335, %get3A_336] {strides = array<i32>} : memref<16x1280xf32, #tpu.memory_space<vmem>>, vector<1x16xf32>,
      %get3A_338 = vector.shape_cast %get3A_337 : vector<1x16xf32> to vector<16xf32>
      %add3A_339 = arith.addf %while3A_307, %get3A_338 : vector<16xf32>
      %get3A_340 = arith.constant 3 : i32
      %get3A_341 = arith.index_cast %get3A_340 : i32 to index
      %get3A_342 = arith.index_cast %mul3A_322 : i32 to index
      %get3A_343 = tpu.vector_load %arg7[%get3A_341, %get3A_342] {strides = array<i32>} : memref<16x1280xf32, #tpu.memory_space<vmem>>, vector<1x16xf32>,
      %get3A_344 = vector.shape_cast %get3A_343 : vector<1x16xf32> to vector<16xf32>
      %add3A_345 = arith.addf %while3A_308, %get3A_344 : vector<16xf32>
      %get3A_346 = arith.constant 4 : i32
      %get3A_347 = arith.index_cast %get3A_346 : i32 to index
      %get3A_348 = arith.index_cast %mul3A_322 : i32 to index
      %get3A_349 = tpu.vector_load %arg7[%get3A_347, %get3A_348] {strides = array<i32>} : memref<16x1280xf32, #tpu.memory_space<vmem>>, vector<1x16xf32>,
      %get3A_350 = vector.shape_cast %get3A_349 : vector<1x16xf32> to vector<16xf32>
      %add3A_351 = arith.addf %while3A_309, %get3A_350 : vector<16xf32>
      %get3A_352 = arith.constant 5 : i32
      %get3A_353 = arith.index_cast %get3A_352 : i32 to index
      %get3A_354 = arith.index_cast %mul3A_322 : i32 to index
      %get3A_355 = tpu.vector_load %arg7[%get3A_353, %get3A_354] {strides = array<i32>} : memref<16x1280xf32, #tpu.memory_space<vmem>>, vector<1x16xf32>,
      %get3A_356 = vector.shape_cast %get3A_355 : vector<1x16xf32> to vector<16xf32>
      %add3A_357 = arith.addf %while3A_310, %get3A_356 : vector<16xf32>
      %get3A_358 = arith.constant 6 : i32
      %get3A_359 = arith.index_cast %get3A_358 : i32 to index
      %get3A_360 = arith.index_cast %mul3A_322 : i32 to index
      %get3A_361 = tpu.vector_load %arg7[%get3A_359, %get3A_360] {strides = array<i32>} : memref<16x1280xf32, #tpu.memory_space<vmem>>, vector<1x16xf32>,
      %get3A_362 = vector.shape_cast %get3A_361 : vector<1x16xf32> to vector<16xf32>
      %add3A_363 = arith.addf %while3A_311, %get3A_362 : vector<16xf32>
      %get3A_364 = arith.constant 7 : i32
      %get3A_365 = arith.index_cast %get3A_364 : i32 to index
      %get3A_366 = arith.index_cast %mul3A_322 : i32 to index
      %get3A_367 = tpu.vector_load %arg7[%get3A_365, %get3A_366] {strides = array<i32>} : memref<16x1280xf32, #tpu.memory_space<vmem>>, vector<1x16xf32>,
      %get3A_368 = vector.shape_cast %get3A_367 : vector<1x16xf32> to vector<16xf32>
      %add3A_369 = arith.addf %while3A_312, %get3A_368 : vector<16xf32>
      %get3A_370 = arith.constant 8 : i32
      %get3A_371 = arith.index_cast %get3A_370 : i32 to index
      %get3A_372 = arith.index_cast %mul3A_322 : i32 to index
      %get3A_373 = tpu.vector_load %arg7[%get3A_371, %get3A_372] {strides = array<i32>} : memref<16x1280xf32, #tpu.memory_space<vmem>>, vector<1x16xf32>,
      %get3A_374 = vector.shape_cast %get3A_373 : vector<1x16xf32> to vector<16xf32>
      %add3A_375 = arith.addf %while3A_313, %get3A_374 : vector<16xf32>
      %get3A_376 = arith.constant 9 : i32
      %get3A_377 = arith.index_cast %get3A_376 : i32 to index
      %get3A_378 = arith.index_cast %mul3A_322 : i32 to index
      %get3A_379 = tpu.vector_load %arg7[%get3A_377, %get3A_378] {strides = array<i32>} : memref<16x1280xf32, #tpu.memory_space<vmem>>, vector<1x16xf32>,
      %get3A_380 = vector.shape_cast %get3A_379 : vector<1x16xf32> to vector<16xf32>
      %add3A_381 = arith.addf %while3A_314, %get3A_380 : vector<16xf32>
      %get3A_382 = arith.constant 10 : i32
      %get3A_383 = arith.index_cast %get3A_382 : i32 to index
      %get3A_384 = arith.index_cast %mul3A_322 : i32 to index
      %get3A_385 = tpu.vector_load %arg7[%get3A_383, %get3A_384] {strides = array<i32>} : memref<16x1280xf32, #tpu.memory_space<vmem>>, vector<1x16xf32>,
      %get3A_386 = vector.shape_cast %get3A_385 : vector<1x16xf32> to vector<16xf32>
      %add3A_387 = arith.addf %while3A_315, %get3A_386 : vector<16xf32>
      %get3A_388 = arith.constant 11 : i32
      %get3A_389 = arith.index_cast %get3A_388 : i32 to index
      %get3A_390 = arith.index_cast %mul3A_322 : i32 to index
      %get3A_391 = tpu.vector_load %arg7[%get3A_389, %get3A_390] {strides = array<i32>} : memref<16x1280xf32, #tpu.memory_space<vmem>>, vector<1x16xf32>,
      %get3A_392 = vector.shape_cast %get3A_391 : vector<1x16xf32> to vector<16xf32>
      %add3A_393 = arith.addf %while3A_316, %get3A_392 : vector<16xf32>
      %get3A_394 = arith.constant 12 : i32
      %get3A_395 = arith.index_cast %get3A_394 : i32 to index
      %get3A_396 = arith.index_cast %mul3A_322 : i32 to index
      %get3A_397 = tpu.vector_load %arg7[%get3A_395, %get3A_396] {strides = array<i32>} : memref<16x1280xf32, #tpu.memory_space<vmem>>, vector<1x16xf32>,
      %get3A_398 = vector.shape_cast %get3A_397 : vector<1x16xf32> to vector<16xf32>
      %add3A_399 = arith.addf %while3A_317, %get3A_398 : vector<16xf32>
      %get3A_400 = arith.constant 13 : i32
      %get3A_401 = arith.index_cast %get3A_400 : i32 to index
      %get3A_402 = arith.index_cast %mul3A_322 : i32 to index
      %get3A_403 = tpu.vector_load %arg7[%get3A_401, %get3A_402] {strides = array<i32>} : memref<16x1280xf32, #tpu.memory_space<vmem>>, vector<1x16xf32>,
      %get3A_404 = vector.shape_cast %get3A_403 : vector<1x16xf32> to vector<16xf32>
      %add3A_405 = arith.addf %while3A_318, %get3A_404 : vector<16xf32>
      %get3A_406 = arith.constant 14 : i32
      %get3A_407 = arith.index_cast %get3A_406 : i32 to index
      %get3A_408 = arith.index_cast %mul3A_322 : i32 to index
      %get3A_409 = tpu.vector_load %arg7[%get3A_407, %get3A_408] {strides = array<i32>} : memref<16x1280xf32, #tpu.memory_space<vmem>>, vector<1x16xf32>,
      %get3A_410 = vector.shape_cast %get3A_409 : vector<1x16xf32> to vector<16xf32>
      %add3A_411 = arith.addf %while3A_319, %get3A_410 : vector<16xf32>
      %get3A_412 = arith.constant 15 : i32
      %get3A_413 = arith.index_cast %get3A_412 : i32 to index
      %get3A_414 = arith.index_cast %mul3A_322 : i32 to index
      %get3A_415 = tpu.vector_load %arg7[%get3A_413, %get3A_414] {strides = array<i32>} : memref<16x1280xf32, #tpu.memory_space<vmem>>, vector<1x16xf32>,
      %get3A_416 = vector.shape_cast %get3A_415 : vector<1x16xf32> to vector<16xf32>
      %add3A_417 = arith.addf %while3A_320, %get3A_416 : vector<16xf32>
      scf.yield %add3A_327, %add3A_333, %add3A_339, %add3A_345, %add3A_351, %add3A_357, %add3A_363, %add3A_369, %add3A_375, %add3A_381, %add3A_387, %add3A_393, %add3A_399, %add3A_405, %add3A_411, %add3A_417 : vector<16xf32>, vector<16xf32>, vector<16xf32>, vector<16xf32>, vector<16xf32>, vector<16xf32>, vector<16xf32>, vector<16xf32>, vector<16xf32>, vector<16xf32>, vector<16xf32>, vector<16xf32>, vector<16xf32>, vector<16xf32>, vector<16xf32>, vector<16xf32>
    }
    %swap3A = arith.constant 0 : i32
    %swap3A_209 = arith.index_cast %swap3A : i32 to index
    %swap3A_210 = arith.constant 0 : index
    %swap3A_211 = tpu.vector_load %arg8[%swap3A_209, %swap3A_210] {strides = array<i32>} : memref<16x16xf32, #tpu.memory_space<vmem>>, vector<1x16xf32>,
    %swap3A_212 = vector.shape_cast %swap3A_211 : vector<1x16xf32> to vector<16xf32>
    %swap3A_213 = vector.shape_cast %while3A_208#0 : vector<16xf32> to vector<1x16xf32>
    tpu.vector_store %arg8[%swap3A_209, %swap3A_210], %swap3A_213 {strides = array<i32>} : memref<16x16xf32, #tpu.memory_space<vmem>>, vector<1x16xf32>,
    %swap3A_214 = arith.constant 1 : i32
    %swap3A_215 = arith.index_cast %swap3A_214 : i32 to index
    %swap3A_216 = arith.constant 0 : index
    %swap3A_217 = tpu.vector_load %arg8[%swap3A_215, %swap3A_216] {strides = array<i32>} : memref<16x16xf32, #tpu.memory_space<vmem>>, vector<1x16xf32>,
    %swap3A_218 = vector.shape_cast %swap3A_217 : vector<1x16xf32> to vector<16xf32>
    %swap3A_219 = vector.shape_cast %while3A_208#1 : vector<16xf32> to vector<1x16xf32>
    tpu.vector_store %arg8[%swap3A_215, %swap3A_216], %swap3A_219 {strides = array<i32>} : memref<16x16xf32, #tpu.memory_space<vmem>>, vector<1x16xf32>,
    %swap3A_220 = arith.constant 2 : i32
    %swap3A_221 = arith.index_cast %swap3A_220 : i32 to index
    %swap3A_222 = arith.constant 0 : index
    %swap3A_223 = tpu.vector_load %arg8[%swap3A_221, %swap3A_222] {strides = array<i32>} : memref<16x16xf32, #tpu.memory_space<vmem>>, vector<1x16xf32>,
    %swap3A_224 = vector.shape_cast %swap3A_223 : vector<1x16xf32> to vector<16xf32>
    %swap3A_225 = vector.shape_cast %while3A_208#2 : vector<16xf32> to vector<1x16xf32>
    tpu.vector_store %arg8[%swap3A_221, %swap3A_222], %swap3A_225 {strides = array<i32>} : memref<16x16xf32, #tpu.memory_space<vmem>>, vector<1x16xf32>,
    %swap3A_226 = arith.constant 3 : i32
    %swap3A_227 = arith.index_cast %swap3A_226 : i32 to index
    %swap3A_228 = arith.constant 0 : index
    %swap3A_229 = tpu.vector_load %arg8[%swap3A_227, %swap3A_228] {strides = array<i32>} : memref<16x16xf32, #tpu.memory_space<vmem>>, vector<1x16xf32>,
    %swap3A_230 = vector.shape_cast %swap3A_229 : vector<1x16xf32> to vector<16xf32>
    %swap3A_231 = vector.shape_cast %while3A_208#3 : vector<16xf32> to vector<1x16xf32>
    tpu.vector_store %arg8[%swap3A_227, %swap3A_228], %swap3A_231 {strides = array<i32>} : memref<16x16xf32, #tpu.memory_space<vmem>>, vector<1x16xf32>,
    %swap3A_232 = arith.constant 4 : i32
    %swap3A_233 = arith.index_cast %swap3A_232 : i32 to index
    %swap3A_234 = arith.constant 0 : index
    %swap3A_235 = tpu.vector_load %arg8[%swap3A_233, %swap3A_234] {strides = array<i32>} : memref<16x16xf32, #tpu.memory_space<vmem>>, vector<1x16xf32>,
    %swap3A_236 = vector.shape_cast %swap3A_235 : vector<1x16xf32> to vector<16xf32>
    %swap3A_237 = vector.shape_cast %while3A_208#4 : vector<16xf32> to vector<1x16xf32>
    tpu.vector_store %arg8[%swap3A_233, %swap3A_234], %swap3A_237 {strides = array<i32>} : memref<16x16xf32, #tpu.memory_space<vmem>>, vector<1x16xf32>,
    %swap3A_238 = arith.constant 5 : i32
    %swap3A_239 = arith.index_cast %swap3A_238 : i32 to index
    %swap3A_240 = arith.constant 0 : index
    %swap3A_241 = tpu.vector_load %arg8[%swap3A_239, %swap3A_240] {strides = array<i32>} : memref<16x16xf32, #tpu.memory_space<vmem>>, vector<1x16xf32>,
    %swap3A_242 = vector.shape_cast %swap3A_241 : vector<1x16xf32> to vector<16xf32>
    %swap3A_243 = vector.shape_cast %while3A_208#5 : vector<16xf32> to vector<1x16xf32>
    tpu.vector_store %arg8[%swap3A_239, %swap3A_240], %swap3A_243 {strides = array<i32>} : memref<16x16xf32, #tpu.memory_space<vmem>>, vector<1x16xf32>,
    %swap3A_244 = arith.constant 6 : i32
    %swap3A_245 = arith.index_cast %swap3A_244 : i32 to index
    %swap3A_246 = arith.constant 0 : index
    %swap3A_247 = tpu.vector_load %arg8[%swap3A_245, %swap3A_246] {strides = array<i32>} : memref<16x16xf32, #tpu.memory_space<vmem>>, vector<1x16xf32>,
    %swap3A_248 = vector.shape_cast %swap3A_247 : vector<1x16xf32> to vector<16xf32>
    %swap3A_249 = vector.shape_cast %while3A_208#6 : vector<16xf32> to vector<1x16xf32>
    tpu.vector_store %arg8[%swap3A_245, %swap3A_246], %swap3A_249 {strides = array<i32>} : memref<16x16xf32, #tpu.memory_space<vmem>>, vector<1x16xf32>,
    %swap3A_250 = arith.constant 7 : i32
    %swap3A_251 = arith.index_cast %swap3A_250 : i32 to index
    %swap3A_252 = arith.constant 0 : index
    %swap3A_253 = tpu.vector_load %arg8[%swap3A_251, %swap3A_252] {strides = array<i32>} : memref<16x16xf32, #tpu.memory_space<vmem>>, vector<1x16xf32>,
    %swap3A_254 = vector.shape_cast %swap3A_253 : vector<1x16xf32> to vector<16xf32>
    %swap3A_255 = vector.shape_cast %while3A_208#7 : vector<16xf32> to vector<1x16xf32>
    tpu.vector_store %arg8[%swap3A_251, %swap3A_252], %swap3A_255 {strides = array<i32>} : memref<16x16xf32, #tpu.memory_space<vmem>>, vector<1x16xf32>,
    %swap3A_256 = arith.constant 8 : i32
    %swap3A_257 = arith.index_cast %swap3A_256 : i32 to index
    %swap3A_258 = arith.constant 0 : index
    %swap3A_259 = tpu.vector_load %arg8[%swap3A_257, %swap3A_258] {strides = array<i32>} : memref<16x16xf32, #tpu.memory_space<vmem>>, vector<1x16xf32>,
    %swap3A_260 = vector.shape_cast %swap3A_259 : vector<1x16xf32> to vector<16xf32>
    %swap3A_261 = vector.shape_cast %while3A_208#8 : vector<16xf32> to vector<1x16xf32>
    tpu.vector_store %arg8[%swap3A_257, %swap3A_258], %swap3A_261 {strides = array<i32>} : memref<16x16xf32, #tpu.memory_space<vmem>>, vector<1x16xf32>,
    %swap3A_262 = arith.constant 9 : i32
    %swap3A_263 = arith.index_cast %swap3A_262 : i32 to index
    %swap3A_264 = arith.constant 0 : index
    %swap3A_265 = tpu.vector_load %arg8[%swap3A_263, %swap3A_264] {strides = array<i32>} : memref<16x16xf32, #tpu.memory_space<vmem>>, vector<1x16xf32>,
    %swap3A_266 = vector.shape_cast %swap3A_265 : vector<1x16xf32> to vector<16xf32>
    %swap3A_267 = vector.shape_cast %while3A_208#9 : vector<16xf32> to vector<1x16xf32>
    tpu.vector_store %arg8[%swap3A_263, %swap3A_264], %swap3A_267 {strides = array<i32>} : memref<16x16xf32, #tpu.memory_space<vmem>>, vector<1x16xf32>,
    %swap3A_268 = arith.constant 10 : i32
    %swap3A_269 = arith.index_cast %swap3A_268 : i32 to index
    %swap3A_270 = arith.constant 0 : index
    %swap3A_271 = tpu.vector_load %arg8[%swap3A_269, %swap3A_270] {strides = array<i32>} : memref<16x16xf32, #tpu.memory_space<vmem>>, vector<1x16xf32>,
    %swap3A_272 = vector.shape_cast %swap3A_271 : vector<1x16xf32> to vector<16xf32>
    %swap3A_273 = vector.shape_cast %while3A_208#10 : vector<16xf32> to vector<1x16xf32>
    tpu.vector_store %arg8[%swap3A_269, %swap3A_270], %swap3A_273 {strides = array<i32>} : memref<16x16xf32, #tpu.memory_space<vmem>>, vector<1x16xf32>,
    %swap3A_274 = arith.constant 11 : i32
    %swap3A_275 = arith.index_cast %swap3A_274 : i32 to index
    %swap3A_276 = arith.constant 0 : index
    %swap3A_277 = tpu.vector_load %arg8[%swap3A_275, %swap3A_276] {strides = array<i32>} : memref<16x16xf32, #tpu.memory_space<vmem>>, vector<1x16xf32>,
    %swap3A_278 = vector.shape_cast %swap3A_277 : vector<1x16xf32> to vector<16xf32>
    %swap3A_279 = vector.shape_cast %while3A_208#11 : vector<16xf32> to vector<1x16xf32>
    tpu.vector_store %arg8[%swap3A_275, %swap3A_276], %swap3A_279 {strides = array<i32>} : memref<16x16xf32, #tpu.memory_space<vmem>>, vector<1x16xf32>,
    %swap3A_280 = arith.constant 12 : i32
    %swap3A_281 = arith.index_cast %swap3A_280 : i32 to index
    %swap3A_282 = arith.constant 0 : index
    %swap3A_283 = tpu.vector_load %arg8[%swap3A_281, %swap3A_282] {strides = array<i32>} : memref<16x16xf32, #tpu.memory_space<vmem>>, vector<1x16xf32>,
    %swap3A_284 = vector.shape_cast %swap3A_283 : vector<1x16xf32> to vector<16xf32>
    %swap3A_285 = vector.shape_cast %while3A_208#12 : vector<16xf32> to vector<1x16xf32>
    tpu.vector_store %arg8[%swap3A_281, %swap3A_282], %swap3A_285 {strides = array<i32>} : memref<16x16xf32, #tpu.memory_space<vmem>>, vector<1x16xf32>,
    %swap3A_286 = arith.constant 13 : i32
    %swap3A_287 = arith.index_cast %swap3A_286 : i32 to index
    %swap3A_288 = arith.constant 0 : index
    %swap3A_289 = tpu.vector_load %arg8[%swap3A_287, %swap3A_288] {strides = array<i32>} : memref<16x16xf32, #tpu.memory_space<vmem>>, vector<1x16xf32>,
    %swap3A_290 = vector.shape_cast %swap3A_289 : vector<1x16xf32> to vector<16xf32>
    %swap3A_291 = vector.shape_cast %while3A_208#13 : vector<16xf32> to vector<1x16xf32>
    tpu.vector_store %arg8[%swap3A_287, %swap3A_288], %swap3A_291 {strides = array<i32>} : memref<16x16xf32, #tpu.memory_space<vmem>>, vector<1x16xf32>,
    %swap3A_292 = arith.constant 14 : i32
    %swap3A_293 = arith.index_cast %swap3A_292 : i32 to index
    %swap3A_294 = arith.constant 0 : index
    %swap3A_295 = tpu.vector_load %arg8[%swap3A_293, %swap3A_294] {strides = array<i32>} : memref<16x16xf32, #tpu.memory_space<vmem>>, vector<1x16xf32>,
    %swap3A_296 = vector.shape_cast %swap3A_295 : vector<1x16xf32> to vector<16xf32>
    %swap3A_297 = vector.shape_cast %while3A_208#14 : vector<16xf32> to vector<1x16xf32>
    tpu.vector_store %arg8[%swap3A_293, %swap3A_294], %swap3A_297 {strides = array<i32>} : memref<16x16xf32, #tpu.memory_space<vmem>>, vector<1x16xf32>,
    %swap3A_298 = arith.constant 15 : i32
    %swap3A_299 = arith.index_cast %swap3A_298 : i32 to index
    %swap3A_300 = arith.constant 0 : index
    %swap3A_301 = tpu.vector_load %arg8[%swap3A_299, %swap3A_300] {strides = array<i32>} : memref<16x16xf32, #tpu.memory_space<vmem>>, vector<1x16xf32>,
    %swap3A_302 = vector.shape_cast %swap3A_301 : vector<1x16xf32> to vector<16xf32>
    %swap3A_303 = vector.shape_cast %while3A_208#15 : vector<16xf32> to vector<1x16xf32>
    tpu.vector_store %arg8[%swap3A_299, %swap3A_300], %swap3A_303 {strides = array<i32>} : memref<16x16xf32, #tpu.memory_space<vmem>>, vector<1x16xf32>,
    "tpu.region"() ({
      %run_scoped3A = tpu.sem_alloc : memref<!tpu.dma_semaphore, #tpu.memory_space<semaphore_mem>>
      %dma_start3A_304 = arith.constant 0 : i32
      %dma_start3A_305 = arith.constant 0 : i32
      %dma_start3A_306 = tpu.memref_slice %arg3[%add3A, %dma_start3A_304, %dma_start3A_305] : memref<32x16x16xf32, #tpu.memory_space<hbm>> -> memref<1x16x16xf32, #tpu.memory_space<hbm>>
      %dma_start3A_307 = tpu.memref_squeeze %dma_start3A_306 : memref<1x16x16xf32, #tpu.memory_space<hbm>> -> memref<16x16xf32, #tpu.memory_space<hbm>>
      %dma_start3A_308 = arith.constant 0 : i32
      %dma_start3A_309 = arith.constant 0 : i32
      %dma_start3A_310 = tpu.memref_slice %arg3[%add3A, %dma_start3A_308, %dma_start3A_309] : memref<32x16x16xf32, #tpu.memory_space<hbm>> -> memref<1x16x16xf32, #tpu.memory_space<hbm>>
      %dma_start3A_311 = tpu.memref_squeeze %dma_start3A_310 : memref<1x16x16xf32, #tpu.memory_space<hbm>> -> memref<16x16xf32, #tpu.memory_space<hbm>>
      tpu.enqueue_dma source(%arg8 : memref<16x16xf32, #tpu.memory_space<vmem>>) target(%dma_start3A_311 : memref<16x16xf32, #tpu.memory_space<hbm>>) target_semaphore(%run_scoped3A : memref<!tpu.dma_semaphore, #tpu.memory_space<semaphore_mem>>)
      %dma_wait3A_312 = arith.constant 0 : i32
      %dma_wait3A_313 = arith.constant 0 : i32
      %dma_wait3A_314 = tpu.memref_slice %arg3[%add3A, %dma_wait3A_312, %dma_wait3A_313] : memref<32x16x16xf32, #tpu.memory_space<hbm>> -> memref<1x16x16xf32, #tpu.memory_space<hbm>>
      %dma_wait3A_315 = tpu.memref_squeeze %dma_wait3A_314 : memref<1x16x16xf32, #tpu.memory_space<hbm>> -> memref<16x16xf32, #tpu.memory_space<hbm>>
      %dma_wait3A_316 = arith.constant 0 : i32
      %dma_wait3A_317 = arith.constant 0 : i32
      %dma_wait3A_318 = tpu.memref_slice %arg3[%add3A, %dma_wait3A_316, %dma_wait3A_317] : memref<32x16x16xf32, #tpu.memory_space<hbm>> -> memref<1x16x16xf32, #tpu.memory_space<hbm>>
      %dma_wait3A_319 = tpu.memref_squeeze %dma_wait3A_318 : memref<1x16x16xf32, #tpu.memory_space<hbm>> -> memref<16x16xf32, #tpu.memory_space<hbm>>
      tpu.wait_dma2 semaphore(%run_scoped3A : memref<!tpu.dma_semaphore, #tpu.memory_space<semaphore_mem>>) src(%arg8 : memref<16x16xf32, #tpu.memory_space<vmem>>) dst(%dma_wait3A_319 : memref<16x16xf32, #tpu.memory_space<hbm>>)
      tpu.yield
    }) : () -> ()
    return
  }
}

module attributes {stable_mosaic.version = 14 : i64} {
  func.func @_vertex_body(%arg0: i32, %arg1: memref<1x128xf32, #tpu.memory_space<vmem>>, %arg2: memref<200x128xf32, #tpu.memory_space<vmem>>, %arg3: memref<200x128xf32, #tpu.memory_space<vmem>>, %arg4: memref<200x128xf32, #tpu.memory_space<vmem>>, %arg5: memref<200x128xf32, #tpu.memory_space<vmem>>, %arg6: memref<200x128xf32, #tpu.memory_space<vmem>>, %arg7: memref<200x128xf32, #tpu.memory_space<vmem>>, %arg8: memref<200x128xf32, #tpu.memory_space<vmem>>, %arg9: memref<200x128xf32, #tpu.memory_space<vmem>>, %arg10: memref<200x128xf32, #tpu.memory_space<vmem>>, %arg11: memref<200x128xf32, #tpu.memory_space<vmem>>, %arg12: memref<272x128xf32, #tpu.memory_space<vmem>>, %arg13: memref<1x128xf32, #tpu.memory_space<vmem>>, %arg14: memref<1x128xf32, #tpu.memory_space<vmem>>, %arg15: memref<1x128xf32, #tpu.memory_space<vmem>>) attributes {dimension_semantics = [#tpu.dimension_semantics<arbitrary>], iteration_bounds = array<i64: 5>, scalar_prefetch = 0 : i64, scratch_operands = 1 : i64, tpu.core_type = #tpu.core_type<tc>, window_params = [{pipeline_mode = #tpu.pipeline_mode<synchronous>, transform_indices = @transform_0, window_bounds = array<i64: 1, 128>}, {transform_indices = @transform_1, window_bounds = array<i64: 200, 128>}, {transform_indices = @transform_2, window_bounds = array<i64: 200, 128>}, {transform_indices = @transform_3, window_bounds = array<i64: 200, 128>}, {transform_indices = @transform_4, window_bounds = array<i64: 200, 128>}, {transform_indices = @transform_5, window_bounds = array<i64: 200, 128>}, {transform_indices = @transform_6, window_bounds = array<i64: 200, 128>}, {transform_indices = @transform_7, window_bounds = array<i64: 200, 128>}, {transform_indices = @transform_8, window_bounds = array<i64: 200, 128>}, {transform_indices = @transform_9, window_bounds = array<i64: 200, 128>}, {transform_indices = @transform_10, window_bounds = array<i64: 200, 128>}, {pipeline_mode = #tpu.pipeline_mode<synchronous>, transform_indices = @transform_11, window_bounds = array<i64: 272, 128>}, {pipeline_mode = #tpu.pipeline_mode<synchronous>, transform_indices = @transform_12, window_bounds = array<i64: 1, 128>}, {pipeline_mode = #tpu.pipeline_mode<synchronous>, transform_indices = @transform_13, window_bounds = array<i64: 1, 128>}]} {
    %eq3A = arith.constant 0 : i32
    %eq3A_0 = arith.cmpi eq, %arg0, %eq3A : i32
    %convert_element_type3A = arith.extui %eq3A_0 : i1 to i32
    %cond3A = arith.constant 0 : i32
    %cond3A_1 = arith.cmpi ne, %convert_element_type3A, %cond3A : i32
    scf.if %cond3A_1 {
      %broadcast_in_dim3A_78 = arith.constant 0.000000e+00 : f32
      %broadcast_in_dim3A_79 = vector.broadcast %broadcast_in_dim3A_78 : f32 to vector<1x128xf32>
      %swap3A_80 = arith.constant 0 : index
      %swap3A_81 = arith.constant 0 : index
      %swap3A_82 = vector.load %arg15[%swap3A_80, %swap3A_81] : memref<1x128xf32, #tpu.memory_space<vmem>>, vector<1x128xf32>
      tpu.vector_store %arg15[%swap3A_80, %swap3A_81], %broadcast_in_dim3A_79 {strides = array<i32>} : memref<1x128xf32, #tpu.memory_space<vmem>>, vector<1x128xf32>,
    } else {
    }
    %get3A = arith.constant 0 : index
    %get3A_2 = arith.constant 0 : index
    %get3A_3 = vector.load %arg2[%get3A, %get3A_2] : memref<200x128xf32, #tpu.memory_space<vmem>>, vector<200x128xf32>
    %reduce_sum3A = arith.constant dense<0.000000e+00> : vector<128xf32>
    %reduce_sum3A_4 = vector.multi_reduction <add>, %get3A_3, %reduce_sum3A [0] : vector<200x128xf32> to vector<128xf32>
    %broadcast_in_dim3A = vector.shape_cast %reduce_sum3A_4 : vector<128xf32> to vector<1x128xf32>
    %get3A_5 = arith.constant 0 : index
    %get3A_6 = arith.constant 0 : index
    %get3A_7 = vector.load %arg3[%get3A_5, %get3A_6] : memref<200x128xf32, #tpu.memory_space<vmem>>, vector<200x128xf32>
    %reduce_sum3A_8 = arith.constant dense<0.000000e+00> : vector<128xf32>
    %reduce_sum3A_9 = vector.multi_reduction <add>, %get3A_7, %reduce_sum3A_8 [0] : vector<200x128xf32> to vector<128xf32>
    %broadcast_in_dim3A_10 = vector.shape_cast %reduce_sum3A_9 : vector<128xf32> to vector<1x128xf32>
    %add3A = arith.addf %broadcast_in_dim3A, %broadcast_in_dim3A_10 : vector<1x128xf32>
    %get3A_11 = arith.constant 0 : index
    %get3A_12 = arith.constant 0 : index
    %get3A_13 = vector.load %arg4[%get3A_11, %get3A_12] : memref<200x128xf32, #tpu.memory_space<vmem>>, vector<200x128xf32>
    %reduce_sum3A_14 = arith.constant dense<0.000000e+00> : vector<128xf32>
    %reduce_sum3A_15 = vector.multi_reduction <add>, %get3A_13, %reduce_sum3A_14 [0] : vector<200x128xf32> to vector<128xf32>
    %broadcast_in_dim3A_16 = vector.shape_cast %reduce_sum3A_15 : vector<128xf32> to vector<1x128xf32>
    %add3A_17 = arith.addf %add3A, %broadcast_in_dim3A_16 : vector<1x128xf32>
    %get3A_18 = arith.constant 0 : index
    %get3A_19 = arith.constant 0 : index
    %get3A_20 = vector.load %arg5[%get3A_18, %get3A_19] : memref<200x128xf32, #tpu.memory_space<vmem>>, vector<200x128xf32>
    %reduce_sum3A_21 = arith.constant dense<0.000000e+00> : vector<128xf32>
    %reduce_sum3A_22 = vector.multi_reduction <add>, %get3A_20, %reduce_sum3A_21 [0] : vector<200x128xf32> to vector<128xf32>
    %broadcast_in_dim3A_23 = vector.shape_cast %reduce_sum3A_22 : vector<128xf32> to vector<1x128xf32>
    %add3A_24 = arith.addf %add3A_17, %broadcast_in_dim3A_23 : vector<1x128xf32>
    %get3A_25 = arith.constant 0 : index
    %get3A_26 = arith.constant 0 : index
    %get3A_27 = vector.load %arg6[%get3A_25, %get3A_26] : memref<200x128xf32, #tpu.memory_space<vmem>>, vector<200x128xf32>
    %reduce_sum3A_28 = arith.constant dense<0.000000e+00> : vector<128xf32>
    %reduce_sum3A_29 = vector.multi_reduction <add>, %get3A_27, %reduce_sum3A_28 [0] : vector<200x128xf32> to vector<128xf32>
    %broadcast_in_dim3A_30 = vector.shape_cast %reduce_sum3A_29 : vector<128xf32> to vector<1x128xf32>
    %add3A_31 = arith.addf %add3A_24, %broadcast_in_dim3A_30 : vector<1x128xf32>
    %get3A_32 = arith.constant 0 : index
    %get3A_33 = arith.constant 0 : index
    %get3A_34 = vector.load %arg7[%get3A_32, %get3A_33] : memref<200x128xf32, #tpu.memory_space<vmem>>, vector<200x128xf32>
    %reduce_sum3A_35 = arith.constant dense<0.000000e+00> : vector<128xf32>
    %reduce_sum3A_36 = vector.multi_reduction <add>, %get3A_34, %reduce_sum3A_35 [0] : vector<200x128xf32> to vector<128xf32>
    %broadcast_in_dim3A_37 = vector.shape_cast %reduce_sum3A_36 : vector<128xf32> to vector<1x128xf32>
    %add3A_38 = arith.addf %add3A_31, %broadcast_in_dim3A_37 : vector<1x128xf32>
    %get3A_39 = arith.constant 0 : index
    %get3A_40 = arith.constant 0 : index
    %get3A_41 = vector.load %arg8[%get3A_39, %get3A_40] : memref<200x128xf32, #tpu.memory_space<vmem>>, vector<200x128xf32>
    %reduce_sum3A_42 = arith.constant dense<0.000000e+00> : vector<128xf32>
    %reduce_sum3A_43 = vector.multi_reduction <add>, %get3A_41, %reduce_sum3A_42 [0] : vector<200x128xf32> to vector<128xf32>
    %broadcast_in_dim3A_44 = vector.shape_cast %reduce_sum3A_43 : vector<128xf32> to vector<1x128xf32>
    %add3A_45 = arith.addf %add3A_38, %broadcast_in_dim3A_44 : vector<1x128xf32>
    %get3A_46 = arith.constant 0 : index
    %get3A_47 = arith.constant 0 : index
    %get3A_48 = vector.load %arg9[%get3A_46, %get3A_47] : memref<200x128xf32, #tpu.memory_space<vmem>>, vector<200x128xf32>
    %reduce_sum3A_49 = arith.constant dense<0.000000e+00> : vector<128xf32>
    %reduce_sum3A_50 = vector.multi_reduction <add>, %get3A_48, %reduce_sum3A_49 [0] : vector<200x128xf32> to vector<128xf32>
    %broadcast_in_dim3A_51 = vector.shape_cast %reduce_sum3A_50 : vector<128xf32> to vector<1x128xf32>
    %add3A_52 = arith.addf %add3A_45, %broadcast_in_dim3A_51 : vector<1x128xf32>
    %get3A_53 = arith.constant 0 : index
    %get3A_54 = arith.constant 0 : index
    %get3A_55 = vector.load %arg10[%get3A_53, %get3A_54] : memref<200x128xf32, #tpu.memory_space<vmem>>, vector<200x128xf32>
    %reduce_sum3A_56 = arith.constant dense<0.000000e+00> : vector<128xf32>
    %reduce_sum3A_57 = vector.multi_reduction <add>, %get3A_55, %reduce_sum3A_56 [0] : vector<200x128xf32> to vector<128xf32>
    %broadcast_in_dim3A_58 = vector.shape_cast %reduce_sum3A_57 : vector<128xf32> to vector<1x128xf32>
    %add3A_59 = arith.addf %add3A_52, %broadcast_in_dim3A_58 : vector<1x128xf32>
    %get3A_60 = arith.constant 0 : index
    %get3A_61 = arith.constant 0 : index
    %get3A_62 = vector.load %arg11[%get3A_60, %get3A_61] : memref<200x128xf32, #tpu.memory_space<vmem>>, vector<200x128xf32>
    %reduce_sum3A_63 = arith.constant dense<0.000000e+00> : vector<128xf32>
    %reduce_sum3A_64 = vector.multi_reduction <add>, %get3A_62, %reduce_sum3A_63 [0] : vector<200x128xf32> to vector<128xf32>
    %broadcast_in_dim3A_65 = vector.shape_cast %reduce_sum3A_64 : vector<128xf32> to vector<1x128xf32>
    %add3A_66 = arith.addf %add3A_59, %broadcast_in_dim3A_65 : vector<1x128xf32>
    %get3A_67 = arith.constant 0 : index
    %get3A_68 = arith.constant 0 : index
    %get3A_69 = vector.load %arg15[%get3A_67, %get3A_68] : memref<1x128xf32, #tpu.memory_space<vmem>>, vector<1x128xf32>
    %add3A_70 = arith.addf %get3A_69, %add3A_66 : vector<1x128xf32>
    %swap3A = arith.constant 0 : index
    %swap3A_71 = arith.constant 0 : index
    %swap3A_72 = vector.load %arg15[%swap3A, %swap3A_71] : memref<1x128xf32, #tpu.memory_space<vmem>>, vector<1x128xf32>
    tpu.vector_store %arg15[%swap3A, %swap3A_71], %add3A_70 {strides = array<i32>} : memref<1x128xf32, #tpu.memory_space<vmem>>, vector<1x128xf32>,
    %eq3A_73 = arith.constant 4 : i32
    %eq3A_74 = arith.cmpi eq, %arg0, %eq3A_73 : i32
    %convert_element_type3A_75 = arith.extui %eq3A_74 : i1 to i32
    %cond3A_76 = arith.constant 0 : i32
    %cond3A_77 = arith.cmpi ne, %convert_element_type3A_75, %cond3A_76 : i32
    scf.if %cond3A_77 {
      %get3A_78 = arith.constant 0 : index
      %get3A_79 = arith.constant 0 : index
      %get3A_80 = vector.load %arg1[%get3A_78, %get3A_79] : memref<1x128xf32, #tpu.memory_space<vmem>>, vector<1x128xf32>
      %get3A_81 = arith.constant 0 : index
      %get3A_82 = arith.constant 0 : index
      %get3A_83 = vector.load %arg12[%get3A_81, %get3A_82] : memref<272x128xf32, #tpu.memory_space<vmem>>, vector<128x128xf32>
      %dot_general3A = arith.constant dense<0.000000e+00> : vector<1x128xf32>
      %dot_general3A_84 = tpu.matmul %get3A_80, %get3A_83, %dot_general3A {dimension_numbers = #tpu.dot_dimension_numbers<[1], [0], [0], [1], [0, 0, 1, 1], [], []>, transpose_lhs_hint = false} : vector<1x128xf32>, vector<128x128xf32>, vector<1x128xf32> -> vector<1x128xf32>
      %get3A_85 = arith.constant 0 : index
      %get3A_86 = arith.constant 0 : index
      %get3A_87 = vector.load %arg15[%get3A_85, %get3A_86] : memref<1x128xf32, #tpu.memory_space<vmem>>, vector<1x128xf32>
      %div3A = arith.constant 1.000000e+04 : f32
      %div3A_88 = vector.broadcast %div3A : f32 to vector<1x128xf32>
      %div3A_89 = arith.divf %get3A_87, %div3A_88 : vector<1x128xf32>
      %get3A_90 = arith.constant 128 : index
      %get3A_91 = arith.constant 0 : index
      %get3A_92 = vector.load %arg12[%get3A_90, %get3A_91] : memref<272x128xf32, #tpu.memory_space<vmem>>, vector<128x128xf32>
      %dot_general3A_93 = arith.constant dense<0.000000e+00> : vector<1x128xf32>
      %dot_general3A_94 = tpu.matmul %div3A_89, %get3A_92, %dot_general3A_93 {dimension_numbers = #tpu.dot_dimension_numbers<[1], [0], [0], [1], [0, 0, 1, 1], [], []>, transpose_lhs_hint = false} : vector<1x128xf32>, vector<128x128xf32>, vector<1x128xf32> -> vector<1x128xf32>
      %add3A_95 = arith.addf %dot_general3A_84, %dot_general3A_94 : vector<1x128xf32>
      %get3A_96 = arith.constant 0 : index
      %get3A_97 = arith.constant 0 : index
      %get3A_98 = vector.load %arg13[%get3A_96, %get3A_97] : memref<1x128xf32, #tpu.memory_space<vmem>>, vector<1x128xf32>
      %add3A_99 = arith.addf %add3A_95, %get3A_98 : vector<1x128xf32>
      %swap3A_100 = arith.constant 0 : index
      %swap3A_101 = arith.constant 0 : index
      %swap3A_102 = vector.load %arg14[%swap3A_100, %swap3A_101] : memref<1x128xf32, #tpu.memory_space<vmem>>, vector<1x128xf32>
      tpu.vector_store %arg14[%swap3A_100, %swap3A_101], %add3A_99 {strides = array<i32>} : memref<1x128xf32, #tpu.memory_space<vmem>>, vector<1x128xf32>,
    } else {
    }
    return
  }
  func.func @transform_0(%arg0: i32) -> (i32, i32) {
    %c0_i32 = arith.constant 0 : i32
    %c0_i32_0 = arith.constant 0 : i32
    %c0_i32_1 = arith.constant 0 : i32
    return %c0_i32, %c0_i32_0 : i32, i32
  }
  func.func @transform_1(%arg0: i32) -> (i32, i32) {
    %add3A = arith.constant 0 : i32
    %add3A_0 = arith.addi %add3A, %arg0 : i32
    %c0_i32 = arith.constant 0 : i32
    %c0_i32_1 = arith.constant 0 : i32
    return %add3A_0, %c0_i32 : i32, i32
  }
  func.func @transform_2(%arg0: i32) -> (i32, i32) {
    %add3A = arith.constant 5 : i32
    %add3A_0 = arith.addi %add3A, %arg0 : i32
    %c0_i32 = arith.constant 0 : i32
    %c0_i32_1 = arith.constant 0 : i32
    return %add3A_0, %c0_i32 : i32, i32
  }
  func.func @transform_3(%arg0: i32) -> (i32, i32) {
    %add3A = arith.constant 10 : i32
    %add3A_0 = arith.addi %add3A, %arg0 : i32
    %c0_i32 = arith.constant 0 : i32
    %c0_i32_1 = arith.constant 0 : i32
    return %add3A_0, %c0_i32 : i32, i32
  }
  func.func @transform_4(%arg0: i32) -> (i32, i32) {
    %add3A = arith.constant 15 : i32
    %add3A_0 = arith.addi %add3A, %arg0 : i32
    %c0_i32 = arith.constant 0 : i32
    %c0_i32_1 = arith.constant 0 : i32
    return %add3A_0, %c0_i32 : i32, i32
  }
  func.func @transform_5(%arg0: i32) -> (i32, i32) {
    %add3A = arith.constant 20 : i32
    %add3A_0 = arith.addi %add3A, %arg0 : i32
    %c0_i32 = arith.constant 0 : i32
    %c0_i32_1 = arith.constant 0 : i32
    return %add3A_0, %c0_i32 : i32, i32
  }
  func.func @transform_6(%arg0: i32) -> (i32, i32) {
    %add3A = arith.constant 25 : i32
    %add3A_0 = arith.addi %add3A, %arg0 : i32
    %c0_i32 = arith.constant 0 : i32
    %c0_i32_1 = arith.constant 0 : i32
    return %add3A_0, %c0_i32 : i32, i32
  }
  func.func @transform_7(%arg0: i32) -> (i32, i32) {
    %add3A = arith.constant 30 : i32
    %add3A_0 = arith.addi %add3A, %arg0 : i32
    %c0_i32 = arith.constant 0 : i32
    %c0_i32_1 = arith.constant 0 : i32
    return %add3A_0, %c0_i32 : i32, i32
  }
  func.func @transform_8(%arg0: i32) -> (i32, i32) {
    %add3A = arith.constant 35 : i32
    %add3A_0 = arith.addi %add3A, %arg0 : i32
    %c0_i32 = arith.constant 0 : i32
    %c0_i32_1 = arith.constant 0 : i32
    return %add3A_0, %c0_i32 : i32, i32
  }
  func.func @transform_9(%arg0: i32) -> (i32, i32) {
    %add3A = arith.constant 40 : i32
    %add3A_0 = arith.addi %add3A, %arg0 : i32
    %c0_i32 = arith.constant 0 : i32
    %c0_i32_1 = arith.constant 0 : i32
    return %add3A_0, %c0_i32 : i32, i32
  }
  func.func @transform_10(%arg0: i32) -> (i32, i32) {
    %add3A = arith.constant 45 : i32
    %add3A_0 = arith.addi %add3A, %arg0 : i32
    %c0_i32 = arith.constant 0 : i32
    %c0_i32_1 = arith.constant 0 : i32
    return %add3A_0, %c0_i32 : i32, i32
  }
  func.func @transform_11(%arg0: i32) -> (i32, i32) {
    %c0_i32 = arith.constant 0 : i32
    %c0_i32_0 = arith.constant 0 : i32
    %c0_i32_1 = arith.constant 0 : i32
    return %c0_i32, %c0_i32_0 : i32, i32
  }
  func.func @transform_12(%arg0: i32) -> (i32, i32) {
    %c0_i32 = arith.constant 0 : i32
    %c0_i32_0 = arith.constant 0 : i32
    %c0_i32_1 = arith.constant 0 : i32
    return %c0_i32, %c0_i32_0 : i32, i32
  }
  func.func @transform_13(%arg0: i32) -> (i32, i32) {
    %c0_i32 = arith.constant 0 : i32
    %c0_i32_0 = arith.constant 0 : i32
    %c0_i32_1 = arith.constant 0 : i32
    return %c0_i32, %c0_i32_0 : i32, i32
  }
}

module attributes {stable_mosaic.version = 14 : i64} {
  func.func @_combine_body(%arg0: memref<32x16x16xf32, #tpu.memory_space<vmem>>, %arg1: memref<1x128xf32, #tpu.memory_space<vmem>>, %arg2: memref<272x128xf32, #tpu.memory_space<vmem>>, %arg3: memref<1x128xf32, #tpu.memory_space<vmem>>) attributes {dimension_semantics = [], scalar_prefetch = 0 : i64, scratch_operands = 0 : i64, tpu.core_type = #tpu.core_type<tc>} {
    %get3A = arith.constant 0 : index
    %get3A_0 = arith.constant 0 : index
    %get3A_1 = arith.constant 0 : index
    %get3A_2 = vector.load %arg0[%get3A, %get3A_0, %get3A_1] : memref<32x16x16xf32, #tpu.memory_space<vmem>>, vector<32x16x16xf32>
    %reduce_sum3A = arith.constant dense<0.000000e+00> : vector<16x16xf32>
    %reduce_sum3A_3 = vector.multi_reduction <add>, %get3A_2, %reduce_sum3A [0] : vector<32x16x16xf32> to vector<16x16xf32>
    %reduce_sum3A_4 = arith.constant dense<0.000000e+00> : vector<16xf32>
    %reduce_sum3A_5 = vector.multi_reduction <add>, %reduce_sum3A_3, %reduce_sum3A_4 [1] : vector<16x16xf32> to vector<16xf32>
    %broadcast_in_dim3A = vector.shape_cast %reduce_sum3A_5 : vector<16xf32> to vector<16x1xf32>
    %div3A = arith.constant 3.200000e+05 : f32
    %div3A_6 = vector.broadcast %div3A : f32 to vector<16x1xf32>
    %div3A_7 = arith.divf %broadcast_in_dim3A, %div3A_6 : vector<16x1xf32>
    %get3A_8 = arith.constant 0 : index
    %get3A_9 = arith.constant 0 : index
    %get3A_10 = vector.load %arg1[%get3A_8, %get3A_9] : memref<1x128xf32, #tpu.memory_space<vmem>>, vector<1x128xf32>
    %get3A_11 = arith.constant 256 : index
    %get3A_12 = arith.constant 0 : index
    %get3A_13 = vector.load %arg2[%get3A_11, %get3A_12] : memref<272x128xf32, #tpu.memory_space<vmem>>, vector<16x128xf32>
    %dot_general3A = arith.constant dense<0.000000e+00> : vector<1x128xf32>
    %dot_general3A_14 = tpu.matmul %div3A_7, %get3A_13, %dot_general3A {dimension_numbers = #tpu.dot_dimension_numbers<[0], [0], [1], [1], [0, 1, 1, 1], [], []>, transpose_lhs_hint = false} : vector<16x1xf32>, vector<16x128xf32>, vector<1x128xf32> -> vector<1x128xf32>
    %add3A = arith.addf %get3A_10, %dot_general3A_14 : vector<1x128xf32>
    %swap3A = arith.constant 0 : index
    %swap3A_15 = arith.constant 0 : index
    %swap3A_16 = vector.load %arg3[%swap3A, %swap3A_15] : memref<1x128xf32, #tpu.memory_space<vmem>>, vector<1x128xf32>
    tpu.vector_store %arg3[%swap3A, %swap3A_15], %add3A {strides = array<i32>} : memref<1x128xf32, #tpu.memory_space<vmem>>, vector<1x128xf32>,
    return
  }
}

</mosaic_0001>

<sc_bundles>
// kernel: kernel.5.cloned.1.call-start
scs
__scs_entry_jumppad:
0x0: {  	(pc) =	sbr.rel $0x88, $3  }
0x1: {  	(tag) =	ssettag $0x0;
	lr =	simm.s32 $0x1  }
0x2: {  	[smem:$0x3F9C] =	sst lr;
	_ =	strace $0xD0000000  }
0x3: {  	_ = 	snop  }
0x4: {  	_ = 	snop  }
0x5: {  	_ = 	snop  }
0x6: {  	_ = 	snop  }
0x7: {  	_ = 	snop  }
__scs_overlays_trampoline_lowered:
0x8: {  	[smem:$0x3FAB] =	sst s0  }
0x9: {  	[smem:$0x3FAC] =	sst s1  }
0xa: {  	[smem:$0x3FAD] =	sst s2  }
0xb: {  	[smem:$0x3FAE] =	sst s3  }
0xc: {  	[smem:$0x3FAF] =	sst s4  }
0xd: {  	[smem:$0x3FB0] =	sst s5  }
0xe: {  	[smem:$0x3FB1] =	sst s6  }
0xf: {  	[smem:$0x3FB2] =	sst s7  }
0x10: {  	[smem:$0x3FB3] =	sst s8  }
0x11: {  	[smem:$0x3FB4] =	sst s9;
	s0 =	simm.s32 @!p0 $0x0  }
0x12: {  	s1 =	sld [smem:$0x3F9A];
	s0 =	simm.s32 @p0 $0x1  }
0x13: {  	[smem:$0x3FB5] =	sst s0;
	s0 =	simm.s32 @!p1 $0x0  }
0x14: {  	s2 =	sld [smem:$0x3F99];
	s0 =	simm.s32 @p1 $0x1  }
0x15: {  	[smem:$0x3FB6] =	sst s0;
	s0 =	simm.s32 @!p2 $0x0  }
0x16: {  	s3 =	sld [smem:$0x3FDB];
	s0 =	simm.s32 @p2 $0x1  }
0x17: {  	s4 =	simm.s32 $0x1BF5;
	[smem:$0x3FB8] =	sst s0  }
0x18: {  	s0 =	sld [smem:$0x3F9B];
	_ =	swait.ge [sflag:s4], $0x0  }
0x19: {  	s7 =	sld [smem:$0x3F9C]  }
0x1a: {  	s8 =	sadd.s32 $0xFFFFE003, lr  }
0x1b: {  	s9 =	sadd.s32 $0xFFFFFEF7, lr;
	s5 =	simm.s32 $0xFFFFFFFF;
	p2 =	slt.u32 s8, $0xFFFFF086  }
0x1c: {  	p1 =	slt.u32 s9, $0xF7A;
	s5 =	simm.s32 @!p2 $0x0  }
0x1d: {  	s5 =	simm.s32 @p1 $0x1;
	p0 =	seq.s32 s7, s2  }
0x1e: {  	s7 =	smul.u32 @!p0 $0xF7A, s2;
	p2 =	seq.s32 @!p0 s5, $0x0  }
0x1f: {  	s9 =	smul.u32 $0xF7A, s1;
	s8 =	simm.s32 @!p0 $0x1BF5;
	p2 =	por !p2, p0  }
0x20: {  	[sflag:s8] =	ssyncset.s32 @!p0 $0xFFFFF086;
	s6 =	sadd.s32 @!p0 s3, s7;
	s7 =	simm.s32 @!p0 $0x108  }
0x21: {  	s3 =	sadd.s32 s3, s9;
	s6 =	sadd.s32 @!p0 $0x88, s6;
	s7 =	simm.s32 @p2 $0x1082  }
0x22: {  	[simem:s7], [sflag:s8] =	dma.local @!p0 [hbm:s6], $0xF7A  }
0x23: {  	s9 =	sor.u32 $0xD0000000, s2;
	s6 =	simm.s32 $0x108;
	_ =	swait.ge @!p0 [sflag:s8], $0x0  }
0x24: {  	s3 =	sadd.s32 $0x88, s3;
	s6 =	simm.s32 @!p1 $0x1082;
	[sflag:s4] =	ssyncset.s32 $0xFFFFF086  }
0x25: {  	[simem:s6], [sflag:s4] =	dma.local [hbm:s3], $0xF7A  }
0x26: {  	[smem:$0x3F9C] =	sst s1;
	(tag) =	ssettag s2;
	_ =	strace s9  }
0x27: {  	s1 =	sld [smem:$0x3FAC]  }
0x28: {  	s2 =	sld [smem:$0x3FAD]  }
0x29: {  	s4 =	sld [smem:$0x3FAF]  }
0x2a: {  	p0 =	seq.s32 s5, $0x0;
	s5 =	sld [smem:$0x3FB0]  }
0x2b: {  	s6 =	sld [smem:$0x3FB1]  }
0x2c: {  	s7 =	sld [smem:$0x3FB2]  }
0x2d: {  	s3 =	simm.s32 $0x108;
	s8 =	sld [smem:$0x3FB3]  }
0x2e: {  	s3 =	simm.s32 @!p0 $0x1082;
	s9 =	sld [smem:$0x3FB4]  }
0x2f: {  	lr =	sadd.s32 s0, s3;
	s0 =	sld [smem:$0x3FAB]  }
0x30: {  	s3 =	sld [smem:$0x3FAE]  }
0x31: {  	[smem:$0x3FB7] =	sst s10  }
0x32: {  	s10 =	sld [smem:$0x3FB5];
	_ =	sdelay $0x3  }
0x33: {  	p0 =	seq.s32 s10, $0x1;
	s10 =	sld [smem:$0x3FB7];
	_ =	sdelay $0x3  }
0x34: {  	[smem:$0x3FB7] =	sst s10  }
0x35: {  	s10 =	sld [smem:$0x3FB6];
	_ =	sdelay $0x3  }
0x36: {  	p1 =	seq.s32 s10, $0x1;
	s10 =	sld [smem:$0x3FB7];
	_ =	sdelay $0x3  }
0x37: {  	[smem:$0x3FB7] =	sst s10  }
0x38: {  	s10 =	sld [smem:$0x3FB8]  }
0x39: {  	_ = 	snop;
	(pc) =	sbr.ind lr, $3  }
0x3a: {  	_ = 	snop  }
0x3b: {  	_ = 	snop  }
0x3c: {  	p2 =	seq.s32 s10, $0x1;
	s10 =	sld [smem:$0x3FB7]  }
0x3d: {  	_ =	shalt  }
0x3e: {  	_ =	shalt  }
0x3f: {  	_ =	shalt  }
0x40: {  	_ =	shalt  }
0x41: {  	_ =	shalt  }
0x42: {  	_ =	shalt  }
0x43: {  	_ =	shalt  }
0x44: {  	_ =	shalt  }
0x45: {  	_ =	shalt  }
0x46: {  	_ =	shalt  }
0x47: {  	_ =	shalt  }
0x48: {  	_ =	shalt  }
0x49: {  	_ =	shalt  }
0x4a: {  	_ =	shalt  }
0x4b: {  	_ =	shalt  }
0x4c: {  	_ =	shalt  }
0x4d: {  	_ =	shalt  }
0x4e: {  	_ =	shalt  }
0x4f: {  	_ =	shalt  }
0x50: {  	_ =	shalt  }
0x51: {  	_ =	shalt  }
0x52: {  	_ =	shalt  }
0x53: {  	_ =	shalt  }
0x54: {  	_ =	shalt  }
0x55: {  	_ =	shalt  }
0x56: {  	_ =	shalt  }
0x57: {  	_ =	shalt  }
0x58: {  	_ =	shalt  }
0x59: {  	_ =	shalt  }
0x5a: {  	_ =	shalt  }
0x5b: {  	_ =	shalt  }
0x5c: {  	_ =	shalt  }
0x5d: {  	_ =	shalt  }
0x5e: {  	_ =	shalt  }
0x5f: {  	_ =	shalt  }
0x60: {  	_ =	shalt  }
0x61: {  	_ =	shalt  }
0x62: {  	_ =	shalt  }
0x63: {  	_ =	shalt  }
0x64: {  	_ =	shalt  }
0x65: {  	_ =	shalt  }
0x66: {  	_ =	shalt  }
0x67: {  	_ =	shalt  }
0x68: {  	_ =	shalt  }
0x69: {  	_ =	shalt  }
0x6a: {  	_ =	shalt  }
0x6b: {  	_ =	shalt  }
0x6c: {  	_ =	shalt  }
0x6d: {  	_ =	shalt  }
0x6e: {  	_ =	shalt  }
0x6f: {  	_ =	shalt  }
0x70: {  	_ =	shalt  }
0x71: {  	_ =	shalt  }
0x72: {  	_ =	shalt  }
0x73: {  	_ =	shalt  }
0x74: {  	_ =	shalt  }
0x75: {  	_ =	shalt  }
0x76: {  	_ =	shalt  }
0x77: {  	_ =	shalt  }
0x78: {  	_ =	shalt  }
0x79: {  	_ =	shalt  }
0x7a: {  	_ =	shalt  }
0x7b: {  	_ =	shalt  }
0x7c: {  	_ =	shalt  }
0x7d: {  	_ =	shalt  }
0x7e: {  	_ =	shalt  }
0x7f: {  	_ =	shalt  }
0x80: {  	_ =	shalt  }
0x81: {  	_ =	shalt  }
0x82: {  	_ =	shalt  }
0x83: {  	_ =	shalt  }
0x84: {  	_ =	shalt  }
0x85: {  	_ =	shalt  }
0x86: {  	_ =	shalt  }
0x87: {  	_ =	shalt  }
.Lfunc_end0:
.L_simem_size_0:
called_computation_lowered:
.L_overlay_start_0:
0x88: {  	s2 =	sld [smem:$0x3FD9]  }
0x89: {  	s3 =	sld [smem:$0x3FFE];
	_ =	sdelay $0x1  }
0x8a: {  	s1 =	srdreg.scid  }
0x8b: {  	s0 =	sand.u32 $0x1, s1  }
0x8c: {  	s17 =	sshll.u32 s0, $0xA;
	s2 =	sadd.s32 s3, s2  }
0x8d: {  	s2 =	sadd.s32 s2, s17  }
0x8e: {  	[smem:$0x3FC3] =	sst s2  }
0x8f: {  	_ = 	snop  }
0x90: {  	s2 =	sld [smem:$0x3FC7];
	(tm) =	ssettm $0x1  }
0x91: {  	s18 =	sld [smem:$0x3FFB];
	_ =	sdelay $0x3  }
0x92: {  	_ =	strace s18  }
0x93: {  	s3 =	sld [smem:$0x3FFC];
	_ =	sdelay $0x3  }
0x94: {  	_ =	strace s3  }
0x95: {  	s3 =	sld [smem:$0x3FFD];
	_ =	sdelay $0x3  }
0x96: {  	_ =	strace s3  }
0x97: {  	_ =	strace $0x8FFFFFFF  }
0x98: {  	s19 =	sld [smem:$0x3FDB];
	_ =	sdelay $0x1  }
0x99: {  	s4 =	simm.s32 $_scs_section_size  }
0x9a: {  	s5 =	simm.s32 $_size__tile_overlayer_lowered;
	s6 =	simm.s32 $_tile_overlayer_lowered  }
0x9b: {  	s22 =	simm.s32 $0x1BFF;
	s21 =	sshll.u32 s6, $0x1;
	s3 =	sadd.s32 s4, s19  }
0x9c: {  	s7 =	simm.s32 $0x0;
	s20 =	sshll.u32 s5, $0x1;
	s5 =	sadd.s32 s21, s3  }
0x9d: {  	[timem:s7], [sflag:s22] =	dma.local [hbm:s5], s20  }
0x9e: {  	_ =	swait.ge [sflag:s22], s20  }
0x9f: {  	s4 =	ssub.s32 $0x0, s20;
	[sflag:s22] =	ssyncset.done $0x0  }
0xa0: {  	[sflag:s22] =	ssyncadd.s32 s4;
	_ =	sdelay $0x1  }
0xa1: {  	s23 =	simm.s32 $0x1B8B  }
0xa2: {  	_ =	swait.ge [sflag:s23], $0x1  }
0xa3: {  	[sflag:s23] =	ssyncset.done $0x0  }
0xa4: {  	s25 =	simm.s32 $0x1B8E;
	s24 =	sld [smem:$0x3FFE];
	[sflag:s23] =	ssyncadd.s32 $0xFFFFFFFF  }
0xa5: {  	s26 =	simm.s32 $execute0_lowered;
	[smem:$0x3FD2] =	sst s25  }
0xa6: {  	s5 =	sshll.u32 s26, $0x1;
	_ =	strace $0x80000046;
	[dreg:$0x1] =	wrdreg $0xFFFFFFFF  }
0xa7: {  	s28 =	simm.s32 $_size_execute0_lowered;
	s3 =	sadd.s32 s3, s5;
	[dreg:$0x0] =	wrdreg $0x0  }
0xa8: {  	s5 =	sshll.u32 s28, $0x1;
	[dreg:$0x2] =	wrdreg s3  }
0xa9: {  	[dreg:$0x3] =	wrdreg s5  }
0xaa: {  	[dreg:$0x4] =	wrdreg $0xC0  }
0xab: {  	_ =	task [dreg:s7], $0x5FFFF  }
0xac: {  	[dreg:$0x1] =	wrdreg $0xFFFFFFFF  }
0xad: {  	[dreg:$0x0] =	wrdreg $0x60  }
0xae: {  	[dreg:$0x2] =	wrdreg s2  }
0xaf: {  	[dreg:$0x3] =	wrdreg s24  }
0xb0: {  	[dreg:$0x4] =	wrdreg $0x9  }
0xb1: {  	_ =	task.clear_ibuf [dreg:s7], $0x5FFFF;
	_ =	strace $0x90000046  }
0xb2: {  	s29 =	simm.s32 $0x9;
	_ =	strace $0x80000048  }
0xb3: {  	_ =	swait.ge [sflag:s29], $0x1  }
0xb4: {  	[sflag:s29] =	ssyncadd.s32 $0xFFFFFFFF  }
0xb5: {  	_ =	strace $0x90000048  }
0xb6: {  	_ =	sfence  }
0xb7: {  	s30 =	sld [smem:$0x0];
	_ =	sdelay $0x2  }
0xb8: {  	s31 =	sshll.u32 s1, $0xD;
	s1 =	sshrl.u32 s1, $0x2  }
0xb9: {  	s3 =	sand.u32 $0x4000, s31;
	s1 =	sadd.s32 s1, s30  }
0xba: {  	s0 =	sor.u32 s3, s0;
	s1 =	sshll.u32 s1, $0x11  }
0xbb: {  	s0 =	sor.u32 s1, s0  }
0xbc: {  	s0 =	sadd.s32 $0x8F2B, s0  }
0xbd: {  	[sflag:s0] =	ssyncadd.remote.s32 $0x1  }
0xbe: {  	_ =	sfence.sel $0xFFFF  }
0xbf: {  	[dreg:$0x0] =	wrdreg $0xFFFFFFFF;
	(pc) =	sbr.abs _section_cstart, $3  }
0xc0: {  	[dreg:$0x1] =	wrdreg $0xFFFFFFFF  }
0xc1: {  	_ =	task.clear_ibuf [dreg:s7], $0x2FFFF;
	_ =	strace $0x9FFFFFFF  }
0xc2: {  	(tm) =	ssettm $0x7FFFFFFF  }
0xc3: {  	_ =	shalt  }
tec
execute0_lowered:
.L_overlay_start_1:
0x0: {  	(tag) =	ssettag $0x1  }
0x1: {  	s3 =	rddreg [dreg:$0x0];
	s1 =	srdreg.scid  }
0x2: {  	s0 =	stileid.u32;
	s4 =	rddreg [dreg:$0x1]  }
0x3: {  	s2 =	simm.s32 $0x0;
	s13 =	simm.s32 $0x2800;
	s14 =	simm.s32 $0x271000  }
0x4: {  	s15 =	simm.s32 $0x5000;
	s16 =	simm.s32 $0xA000;
	s17 =	simm.s32 $0xF000  }
0x5: {  	s18 =	simm.s32 $0x1;
	s19 =	simm.s32 $0x2;
	s20 =	simm.s32 $0x3  }
0x6: {  	s21 =	simm.s32 $0x4;
	s22 =	simm.s32 $0x14000;
	s23 =	simm.s32 $0x5  }
0x7: {  	s24 =	simm.s32 $0x0;
	s5 =	sand.u32 $0x1, s1;
	s6 =	sshll.u32 s0, $0x1  }
0x8: {  	[smem:$0x7FF] =	sst s2;
	p0 =	sgt.u32 s0, $0xC;
	s6 =	sor.u32 s5, s6  }
0x9: {  	_ =	strace $0x80000047;
	s5 =	ssub.s32 $0x2, s5;
	s7 =	smul.u32 $0x2800, s6  }
0xa: {  	s8 =	sshll.u32 s6, $0x8;
	s6 =	smul.u32 $0x500, s6;
	s31 =	sshrl.u32 s5, $0x1  }
.Ltmp0:
0xb: {  	s11 =	sadd.s32 s8, s4;
	s7 =	sshrl.u32 s7, $0x3;
	(pc) =	sbr.rel .LBB2_1-.Ltmp0, $4  }
0xc: {  	s12 =	ssub.s32 s5, s31;
	s11 =	sadd.s32 $0xE00, s11;
	s10 =	sadd.s32 s3, s7  }
0xd: {  	s12 =	smax.u32 s12, $0x1;
	s3 =	sadd.s32 s3, s6;
	s4 =	sadd.s32 $0xA000, s10  }
0xe: {  	s5 =	sadd.s32 $0x14000, s10;
	s6 =	sadd.s32 $0x1E000, s10;
	s7 =	sadd.s32 $0x28000, s10  }
0xf: {  	s8 =	sadd.s32 $0x32000, s10;
	s9 =	sadd.s32 $0x3C000, s10;
	s10 =	sadd.s32 $0x46000, s10  }
.LBB2_18:
0x10: {  	s1 =	sshll.u32 s31, $0x4;
	v21 =	vld [tilespmem:s26+$0x11A80];
	s25 =	sadd.s32 $0x80, s25  }
0x11: {  	v22 =	vld [tilespmem:s26+$0x11B00];
	s1 =	sadd.s32 s1, s25  }
0x12: {  	s28 =	sand.u32 $0x70, s29;
	v23 =	vld [tilespmem:s26+$0x11B80];
	s25 =	sand.u32 $0xFFFFFC00, s25;
	s1 =	sor.u32 $0x380, s1  }
0x13: {  	s25 =	sor.u32 s28, s25;
	v24 =	vld [tilespmem:s1+$0xF000]  }
0x14: {  	v25 =	vld [tilespmem:s25+$0xF000]  }
0x15: {  	v26 =	vld [tilespmem:s25+$0xF080]  }
0x16: {  	v27 =	vld [tilespmem:s25+$0xF100]  }
0x17: {  	v28 =	vld [tilespmem:s25+$0xF180]  }
0x18: {  	v29 =	vld [tilespmem:s25+$0xF200]  }
0x19: {  	v30 =	vld [tilespmem:s25+$0xF280]  }
0x1a: {  	v31 =	vld [tilespmem:s25+$0xF300]  }
0x1b: {  	v32 =	vld [tilespmem:s25+$0x11800]  }
0x1c: {  	v6 =	vadd.f32 v19, v6;
	v7 =	vadd.f32 v17, v7;
	v17 =	vld [tilespmem:s25+$0x11880]  }
0x1d: {  	v4 =	vadd.f32 v18, v4;
	v5 =	vadd.f32 v16, v5;
	v16 =	vld [tilespmem:s25+$0x11900]  }
0x1e: {  	v2 =	vadd.f32 v20, v2;
	v59 =	vld [tilespmem:s25+$0x11980];
	v3 =	vadd.f32 v21, v3  }
0x1f: {  	v60 =	vld [tilespmem:s25+$0x11A00];
	v0 =	vadd.f32 v22, v0;
	v1 =	vadd.f32 v23, v1  }
0x20: {  	v61 =	vld [tilespmem:s25+$0x11A80];
	v8 =	vadd.f32 v24, v8;
	v9 =	vadd.f32 v25, v9  }
0x21: {  	v62 =	vld [tilespmem:s25+$0x11B00];
	v10 =	vadd.f32 v26, v10;
	v11 =	vadd.f32 v27, v11  }
0x22: {  	v63 =	vld [tilespmem:s25+$0x11B80];
	v12 =	vadd.f32 v28, v12;
	v13 =	vadd.f32 v29, v13  }
0x23: {  	v14 =	vadd.f32 v30, v14;
	v15 =	vadd.f32 v31, v15  }
0x24: {  	v6 =	vadd.f32 v32, v6;
	v7 =	vadd.f32 v17, v7  }
0x25: {  	v4 =	vadd.f32 v16, v4;
	v5 =	vadd.f32 v59, v5  }
0x26: {  	v2 =	vadd.f32 v60, v2;
	v3 =	vadd.f32 v61, v3  }
0x27: {  	v0 =	vadd.f32 v62, v0;
	v1 =	vadd.f32 v63, v1  }
.LBB2_19:
0x28: {  	[tilespmem:$0x14000] =	vst v9  }
0x29: {  	[tilespmem:$0x14080] =	vst v10  }
0x2a: {  	[tilespmem:$0x14100] =	vst v11  }
0x2b: {  	[tilespmem:$0x14180] =	vst v12  }
0x2c: {  	[tilespmem:$0x14200] =	vst v13  }
0x2d: {  	[tilespmem:$0x14280] =	vst v14  }
0x2e: {  	[tilespmem:$0x14300] =	vst v15  }
0x2f: {  	[tilespmem:$0x14380] =	vst v8  }
0x30: {  	[tilespmem:$0x14400] =	vst v6  }
0x31: {  	[tilespmem:$0x14480] =	vst v7  }
0x32: {  	[tilespmem:$0x14500] =	vst v4  }
0x33: {  	[tilespmem:$0x14580] =	vst v5  }
0x34: {  	[tilespmem:$0x14600] =	vst v2  }
0x35: {  	[tilespmem:$0x14680] =	vst v3;
	s24 =	sadd.s32 $0x1, s24  }
0x36: {  	[tilespmem:$0x14700] =	vst v0;
	p1 =	sne.s32 s24, s12  }
.Ltmp1:
0x37: {  	[tilespmem:$0x14780] =	vst v1;
	(pc) =	sbr.rel @!p1 .LBB2_20-.Ltmp1, $4  }
0x38: {  	[hbm4b:s11+s2] =	stream.linear.scatter [tilespmem:s22], [sflag:$0x5], $0x800, $0x38;
	[tilespmem:$0x14800] =	vst v63  }
0x39: {  	_ =	swait.ge [sflag:s23], $0x800  }
0x3a: {  	[sflag:s23] =	ssyncset.done $0x0  }
0x3b: {  	[sflag:s23] =	ssyncadd.s32 $0xFFFFF800  }
.LBB2_1:
0x3c: {  	[tilespmem:s2], [sflag:$0x1] =	stream.strided.gather [hbm4b:s3+s13], $0x5000, s14, s13, $0x38;
	[tilespmem:$0x14800] =	vst v63  }
0x3d: {  	_ = 	snop  }
0x3e: {  	[tilespmem:s15], [sflag:$0x2] =	stream.strided.gather [hbm4b:s4+s13], $0x5000, s14, s13, $0x38;
	[tilespmem:$0x14800] =	vst v63  }
0x3f: {  	_ = 	snop  }
0x40: {  	[tilespmem:s16], [sflag:$0x3] =	stream.strided.gather [hbm4b:s5+s13], $0x5000, s14, s13, $0x38;
	[tilespmem:$0x14800] =	vst v63  }
0x41: {  	s25 =	sand.u32 $0x7, s2  }
0x42: {  	[tilespmem:s17], [sflag:$0x4] =	stream.strided.gather [hbm4b:s6+s13], $0x5000, s14, s13, $0x38;
	[tilespmem:$0x14800] =	vst v63  }
0x43: {  	s25 =	sshll.u32 s25, $0x4;
	_ =	swait.ge [sflag:s18], $0x5000  }
0x44: {  	s26 =	sand.u32 $0x70, s2;
	s25 =	sadd.s32 $0x0, s25;
	[sflag:s18] =	ssyncset.done $0x0  }
0x45: {  	s28 =	sand.u32 $0x3C00, s2;
	s29 =	sor.u32 $0x380, s25;
	[sflag:s18] =	ssyncadd.s32 $0xFFFFB000  }
0x46: {  	s25 =	sor.u32 s26, s28;
	v0 =	vld [tilespmem:s29+$0x0]  }
0x47: {  	v1 =	vld [tilespmem:s25+$0x0]  }
0x48: {  	v2 =	vld [tilespmem:s25+$0x80]  }
0x49: {  	v5 =	vld [tilespmem:s25+$0x100]  }
0x4a: {  	v6 =	vld [tilespmem:s25+$0x180]  }
0x4b: {  	v7 =	vld [tilespmem:s25+$0x200]  }
0x4c: {  	v9 =	vld [tilespmem:s25+$0x280]  }
0x4d: {  	v8 =	vimm.f32 $0.0e+00;
	v10 =	vld [tilespmem:s25+$0x300]  }
0x4e: {  	v13 =	vimm.f32 $0.0e+00;
	v14 =	vimm.f32 $0.0e+00;
	v19 =	vld [tilespmem:s25+$0x2800];
	v3 =	vadd.f32 v0, v8  }
0x4f: {  	v15 =	vimm.f32 $0.0e+00;
	v18 =	vld [tilespmem:s25+$0x2880];
	v4 =	vadd.f32 v1, v8;
	v0 =	vadd.f32 v2, v8  }
0x50: {  	v11 =	vimm.f32 $0.0e+00;
	v16 =	vld [tilespmem:s25+$0x2900];
	v1 =	vadd.f32 v5, v8;
	v2 =	vadd.f32 v6, v8  }
0x51: {  	s30 =	simm.s32 $0x20;
	v12 =	vimm.f32 $0.0e+00;
	s26 =	simm.s32 $0x1;
	v17 =	vld [tilespmem:s25+$0x2980];
	v5 =	vadd.f32 v7, v8;
	v6 =	vadd.f32 v9, v8  }
0x52: {  	s28 =	simm.s32 $0x10;
	s31 =	sand.u32 $0x7, s26;
	v20 =	vld [tilespmem:s25+$0x2A00];
	s29 =	simm.s32 $0x0;
	v7 =	vadd.f32 v10, v8;
	v10 =	vimm.f32 $0.0e+00;
	v9 =	vimm.f32 $0.0e+00  }
.LBB2_2:
0x53: {  	p1 =	sne.s32 s30, $0x4F0;
	s31 =	sshll.u32 s31, $0x4;
	v8 =	vadd.f32 v19, v8;
	v19 =	vld [tilespmem:s25+$0x2A80];
	s29 =	sadd.s32 $0x80, s29  }
0x54: {  	s28 =	sand.u32 $0x70, s28;
	s31 =	sadd.s32 s31, s29;
	s1 =	sand.u32 $0x3C00, s29;
	v10 =	vadd.f32 v18, v10;
	v18 =	vld [tilespmem:s25+$0x2B00]  }
0x55: {  	s31 =	sor.u32 $0x380, s31;
	v13 =	vadd.f32 v16, v13;
	v16 =	vld [tilespmem:s25+$0x2B80];
	s25 =	sor.u32 s28, s1;
	s28 =	smov.u32 s30  }
0x56: {  	v21 =	vld [tilespmem:s31+$0x0];
	v14 =	vadd.f32 v17, v14  }
0x57: {  	v17 =	vld [tilespmem:s25+$0x0];
	v9 =	vadd.f32 v20, v9  }
0x58: {  	v20 =	vld [tilespmem:s25+$0x80];
	v15 =	vadd.f32 v19, v15  }
0x59: {  	v19 =	vld [tilespmem:s25+$0x100];
	v11 =	vadd.f32 v18, v11  }
0x5a: {  	v18 =	vld [tilespmem:s25+$0x180];
	v12 =	vadd.f32 v16, v12  }
0x5b: {  	v16 =	vld [tilespmem:s25+$0x200];
	v3 =	vadd.f32 v21, v3  }
0x5c: {  	v4 =	vadd.f32 v17, v4;
	v17 =	vld [tilespmem:s25+$0x280]  }
0x5d: {  	v0 =	vadd.f32 v20, v0;
	v20 =	vld [tilespmem:s25+$0x300]  }
.Ltmp2:
0x5e: {  	v1 =	vadd.f32 v19, v1;
	v19 =	vld [tilespmem:s25+$0x2800];
	(pc) =	sbr.rel @p1 .LBB2_2-.Ltmp2, $4  }
0x5f: {  	v2 =	vadd.f32 v18, v2;
	v18 =	vld [tilespmem:s25+$0x2880]  }
0x60: {  	v5 =	vadd.f32 v16, v5;
	v16 =	vld [tilespmem:s25+$0x2900]  }
0x61: {  	s26 =	sadd.s32 $0x1, s26;
	v6 =	vadd.f32 v17, v6;
	v17 =	vld [tilespmem:s25+$0x2980]  }
0x62: {  	s30 =	sadd.s32 $0x10, s30;
	s31 =	sand.u32 $0x7, s26;
	v7 =	vadd.f32 v20, v7;
	v20 =	vld [tilespmem:s25+$0x2A00]  }
0x63: {  	s1 =	sshll.u32 s31, $0x4;
	v21 =	vld [tilespmem:s25+$0x2A80];
	s26 =	sadd.s32 $0x80, s29  }
0x64: {  	v22 =	vld [tilespmem:s25+$0x2B00];
	s1 =	sadd.s32 s1, s26  }
0x65: {  	s28 =	sand.u32 $0x70, s28;
	v23 =	vld [tilespmem:s25+$0x2B80];
	s26 =	sand.u32 $0x3C00, s26;
	s1 =	sor.u32 $0x380, s1  }
0x66: {  	s26 =	sor.u32 s28, s26;
	v24 =	vld [tilespmem:s1+$0x0]  }
0x67: {  	v25 =	vld [tilespmem:s26+$0x0]  }
0x68: {  	v26 =	vld [tilespmem:s26+$0x80]  }
0x69: {  	v27 =	vld [tilespmem:s26+$0x100]  }
0x6a: {  	v28 =	vld [tilespmem:s26+$0x180]  }
0x6b: {  	v29 =	vld [tilespmem:s26+$0x200]  }
0x6c: {  	v30 =	vld [tilespmem:s26+$0x280]  }
0x6d: {  	v31 =	vld [tilespmem:s26+$0x300]  }
0x6e: {  	v32 =	vld [tilespmem:s26+$0x2800]  }
0x6f: {  	v33 =	vld [tilespmem:s26+$0x2880]  }
0x70: {  	v34 =	vld [tilespmem:s26+$0x2900]  }
0x71: {  	v35 =	vld [tilespmem:s26+$0x2980]  }
0x72: {  	v36 =	vld [tilespmem:s26+$0x2A00]  }
0x73: {  	v37 =	vld [tilespmem:s26+$0x2A80]  }
0x74: {  	s25 =	simm.s32 $0x0;
	v38 =	vld [tilespmem:s26+$0x2B00]  }
0x75: {  	v39 =	vld [tilespmem:s26+$0x2B80];
	[tilespmem:s25], [sflag:$0x1] =	stream.strided.gather [hbm4b:s7+s13], $0x5000, s14, s13, $0x38  }
0x76: {  	s26 =	sand.u32 $0x7, s25  }
0x77: {  	v8 =	vadd.f32 v19, v8;
	v10 =	vadd.f32 v18, v10;
	_ =	swait.ge [sflag:s19], $0x5000;
	s1 =	sshll.u32 s26, $0x4  }
0x78: {  	v13 =	vadd.f32 v16, v13;
	s28 =	sand.u32 $0x3C00, s25;
	v16 =	vadd.f32 v17, v14;
	[sflag:s19] =	ssyncset.done $0x0;
	s1 =	sadd.s32 $0x0, s1  }
0x79: {  	v9 =	vadd.f32 v20, v9;
	s26 =	sand.u32 $0x70, s25;
	v17 =	vadd.f32 v21, v15;
	[sflag:s19] =	ssyncadd.s32 $0xFFFFB000;
	s1 =	sor.u32 $0x380, s1  }
0x7a: {  	v18 =	vadd.f32 v22, v11;
	v19 =	vadd.f32 v23, v12;
	s26 =	sor.u32 s26, s28;
	v20 =	vld [tilespmem:s1+$0x5000]  }
0x7b: {  	v21 =	vld [tilespmem:s26+$0x5000];
	v3 =	vadd.f32 v24, v3;
	v4 =	vadd.f32 v25, v4  }
0x7c: {  	v57 =	vld [tilespmem:s26+$0x5080];
	v22 =	vadd.f32 v26, v0;
	v23 =	vadd.f32 v27, v1  }
0x7d: {  	v59 =	vld [tilespmem:s26+$0x5100];
	v58 =	vadd.f32 v28, v2;
	v5 =	vadd.f32 v29, v5  }
0x7e: {  	v62 =	vld [tilespmem:s26+$0x5180];
	v60 =	vadd.f32 v30, v6;
	v61 =	vadd.f32 v31, v7  }
0x7f: {  	v63 =	vld [tilespmem:s26+$0x5300];
	v14 =	vadd.f32 v32, v8;
	v15 =	vadd.f32 v33, v10  }
0x80: {  	v8 =	vld [tilespmem:s26+$0x5200];
	v11 =	vadd.f32 v34, v13;
	v12 =	vadd.f32 v35, v16  }
0x81: {  	v13 =	vld [tilespmem:s26+$0x5280];
	v9 =	vadd.f32 v36, v9;
	v10 =	vadd.f32 v37, v17  }
0x82: {  	v6 =	vadd.f32 v38, v18;
	v7 =	vadd.f32 v39, v19;
	v19 =	vld [tilespmem:s26+$0x7800]  }
0x83: {  	v18 =	vld [tilespmem:s26+$0x7880];
	v0 =	vadd.f32 v20, v3;
	v1 =	vadd.f32 v21, v4  }
0x84: {  	v17 =	vld [tilespmem:s26+$0x7900];
	v2 =	vadd.f32 v57, v22;
	v3 =	vadd.f32 v59, v23  }
0x85: {  	s28 =	simm.s32 $0x1;
	v16 =	vld [tilespmem:s26+$0x7980];
	v4 =	vadd.f32 v62, v58;
	v5 =	vadd.f32 v8, v5  }
0x86: {  	s29 =	simm.s32 $0x10;
	s30 =	simm.s32 $0x20;
	s31 =	sand.u32 $0x7, s28;
	v20 =	vld [tilespmem:s26+$0x7A00];
	v8 =	vadd.f32 v13, v60;
	v13 =	vadd.f32 v63, v61  }
.LBB2_4:
0x87: {  	p1 =	sne.s32 s30, $0x4F0;
	s1 =	sshll.u32 s31, $0x4;
	v14 =	vadd.f32 v19, v14;
	v19 =	vld [tilespmem:s26+$0x7A80];
	s25 =	sadd.s32 $0x80, s25  }
0x88: {  	s29 =	sand.u32 $0x70, s29;
	s1 =	sadd.s32 s1, s25;
	s31 =	sand.u32 $0x3C00, s25;
	v15 =	vadd.f32 v18, v15;
	v18 =	vld [tilespmem:s26+$0x7B00]  }
0x89: {  	s1 =	sor.u32 $0x380, s1;
	v11 =	vadd.f32 v17, v11;
	v17 =	vld [tilespmem:s26+$0x7B80];
	s26 =	sor.u32 s29, s31;
	s29 =	smov.u32 s30  }
0x8a: {  	v21 =	vld [tilespmem:s1+$0x5000];
	v12 =	vadd.f32 v16, v12  }
0x8b: {  	v16 =	vld [tilespmem:s26+$0x5000];
	v9 =	vadd.f32 v20, v9  }
0x8c: {  	v20 =	vld [tilespmem:s26+$0x5080];
	v10 =	vadd.f32 v19, v10  }
0x8d: {  	v19 =	vld [tilespmem:s26+$0x5100];
	v6 =	vadd.f32 v18, v6  }
0x8e: {  	v18 =	vld [tilespmem:s26+$0x5180];
	v7 =	vadd.f32 v17, v7  }
0x8f: {  	v17 =	vld [tilespmem:s26+$0x5200];
	v0 =	vadd.f32 v21, v0  }
0x90: {  	v1 =	vadd.f32 v16, v1;
	v16 =	vld [tilespmem:s26+$0x5280]  }
0x91: {  	v2 =	vadd.f32 v20, v2;
	v20 =	vld [tilespmem:s26+$0x5300]  }
.Ltmp3:
0x92: {  	v3 =	vadd.f32 v19, v3;
	v19 =	vld [tilespmem:s26+$0x7800];
	(pc) =	sbr.rel @p1 .LBB2_4-.Ltmp3, $4  }
0x93: {  	v4 =	vadd.f32 v18, v4;
	v18 =	vld [tilespmem:s26+$0x7880]  }
0x94: {  	v5 =	vadd.f32 v17, v5;
	v17 =	vld [tilespmem:s26+$0x7900]  }
0x95: {  	s28 =	sadd.s32 $0x1, s28;
	v8 =	vadd.f32 v16, v8;
	v16 =	vld [tilespmem:s26+$0x7980]  }
0x96: {  	s31 =	sand.u32 $0x7, s28;
	s30 =	sadd.s32 $0x10, s30;
	v13 =	vadd.f32 v20, v13;
	v20 =	vld [tilespmem:s26+$0x7A00]  }
0x97: {  	s1 =	sshll.u32 s31, $0x4;
	v21 =	vld [tilespmem:s26+$0x7A80];
	s25 =	sadd.s32 $0x80, s25  }
0x98: {  	v22 =	vld [tilespmem:s26+$0x7B00];
	s1 =	sadd.s32 s1, s25  }
0x99: {  	s28 =	sand.u32 $0x70, s29;
	v23 =	vld [tilespmem:s26+$0x7B80];
	s25 =	sand.u32 $0x3C00, s25;
	s1 =	sor.u32 $0x380, s1  }
0x9a: {  	s25 =	sor.u32 s28, s25;
	v24 =	vld [tilespmem:s1+$0x5000]  }
0x9b: {  	v25 =	vld [tilespmem:s25+$0x5000]  }
0x9c: {  	v26 =	vld [tilespmem:s25+$0x5080]  }
0x9d: {  	v27 =	vld [tilespmem:s25+$0x5100]  }
0x9e: {  	v28 =	vld [tilespmem:s25+$0x5180]  }
0x9f: {  	v29 =	vld [tilespmem:s25+$0x5200]  }
0xa0: {  	v30 =	vld [tilespmem:s25+$0x5280]  }
0xa1: {  	v31 =	vld [tilespmem:s25+$0x5300]  }
0xa2: {  	v32 =	vld [tilespmem:s25+$0x7800]  }
0xa3: {  	v33 =	vld [tilespmem:s25+$0x7880]  }
0xa4: {  	v34 =	vld [tilespmem:s25+$0x7900]  }
0xa5: {  	v35 =	vld [tilespmem:s25+$0x7980]  }
0xa6: {  	v36 =	vld [tilespmem:s25+$0x7A00]  }
0xa7: {  	v37 =	vld [tilespmem:s25+$0x7A80]  }
0xa8: {  	v38 =	vld [tilespmem:s25+$0x7B00]  }
0xa9: {  	v39 =	vld [tilespmem:s25+$0x7B80];
	[tilespmem:s15], [sflag:$0x2] =	stream.strided.gather [hbm4b:s8+s13], $0x5000, s14, s13, $0x38  }
0xaa: {  	s25 =	simm.s32 $0x0  }
0xab: {  	v14 =	vadd.f32 v19, v14;
	v15 =	vadd.f32 v18, v15;
	_ =	swait.ge [sflag:s20], $0x5000;
	s26 =	sand.u32 $0x7, s25;
	s28 =	sand.u32 $0x3C00, s25  }
0xac: {  	v11 =	vadd.f32 v17, v11;
	v12 =	vadd.f32 v16, v12;
	[sflag:s20] =	ssyncset.done $0x0;
	s1 =	sshll.u32 s26, $0x4;
	s26 =	sand.u32 $0x70, s25  }
0xad: {  	v9 =	vadd.f32 v20, v9;
	v10 =	vadd.f32 v21, v10;
	[sflag:s20] =	ssyncadd.s32 $0xFFFFB000;
	s26 =	sor.u32 s26, s28  }
0xae: {  	v6 =	vadd.f32 v22, v6;
	v7 =	vadd.f32 v23, v7;
	v17 =	vld [tilespmem:s26+$0xA000]  }
0xaf: {  	v20 =	vld [tilespmem:s26+$0xA080];
	v0 =	vadd.f32 v24, v0;
	v1 =	vadd.f32 v25, v1  }
0xb0: {  	v21 =	vld [tilespmem:s26+$0xA100];
	v2 =	vadd.f32 v26, v2;
	v3 =	vadd.f32 v27, v3  }
0xb1: {  	v22 =	vld [tilespmem:s26+$0xA180];
	v4 =	vadd.f32 v28, v4;
	v5 =	vadd.f32 v29, v5  }
0xb2: {  	s1 =	sadd.s32 $0x0, s1;
	v23 =	vld [tilespmem:s26+$0xA200];
	v8 =	vadd.f32 v30, v8;
	v13 =	vadd.f32 v31, v13  }
0xb3: {  	s1 =	sor.u32 $0x380, s1;
	v62 =	vld [tilespmem:s26+$0xA280];
	v14 =	vadd.f32 v32, v14;
	v15 =	vadd.f32 v33, v15  }
0xb4: {  	v16 =	vld [tilespmem:s1+$0xA000];
	v11 =	vadd.f32 v34, v11;
	v12 =	vadd.f32 v35, v12  }
0xb5: {  	v63 =	vld [tilespmem:s26+$0xA300];
	v9 =	vadd.f32 v36, v9;
	v10 =	vadd.f32 v37, v10  }
0xb6: {  	v19 =	vld [tilespmem:s26+$0xC800];
	v6 =	vadd.f32 v38, v6;
	v7 =	vadd.f32 v39, v7  }
0xb7: {  	v18 =	vld [tilespmem:s26+$0xC880];
	v1 =	vadd.f32 v17, v1;
	v2 =	vadd.f32 v20, v2  }
0xb8: {  	v3 =	vadd.f32 v21, v3;
	v17 =	vld [tilespmem:s26+$0xC900];
	v4 =	vadd.f32 v22, v4  }
0xb9: {  	s28 =	simm.s32 $0x1;
	v5 =	vadd.f32 v23, v5;
	v0 =	vadd.f32 v16, v0;
	v16 =	vld [tilespmem:s26+$0xC980]  }
0xba: {  	s29 =	simm.s32 $0x10;
	s30 =	simm.s32 $0x20;
	s31 =	sand.u32 $0x7, s28;
	v8 =	vadd.f32 v62, v8;
	v13 =	vadd.f32 v63, v13;
	v20 =	vld [tilespmem:s26+$0xCA00]  }
.LBB2_6:
0xbb: {  	p1 =	sne.s32 s30, $0x4F0;
	s1 =	sshll.u32 s31, $0x4;
	v14 =	vadd.f32 v19, v14;
	v19 =	vld [tilespmem:s26+$0xCA80];
	s25 =	sadd.s32 $0x80, s25  }
0xbc: {  	s29 =	sand.u32 $0x70, s29;
	s1 =	sadd.s32 s1, s25;
	s31 =	sand.u32 $0x3C00, s25;
	v15 =	vadd.f32 v18, v15;
	v18 =	vld [tilespmem:s26+$0xCB00]  }
0xbd: {  	s1 =	sor.u32 $0x380, s1;
	v11 =	vadd.f32 v17, v11;
	v17 =	vld [tilespmem:s26+$0xCB80];
	s26 =	sor.u32 s29, s31;
	s29 =	smov.u32 s30  }
0xbe: {  	v21 =	vld [tilespmem:s1+$0xA000];
	v12 =	vadd.f32 v16, v12  }
0xbf: {  	v16 =	vld [tilespmem:s26+$0xA000];
	v9 =	vadd.f32 v20, v9  }
0xc0: {  	v20 =	vld [tilespmem:s26+$0xA080];
	v10 =	vadd.f32 v19, v10  }
0xc1: {  	v19 =	vld [tilespmem:s26+$0xA100];
	v6 =	vadd.f32 v18, v6  }
0xc2: {  	v18 =	vld [tilespmem:s26+$0xA180];
	v7 =	vadd.f32 v17, v7  }
0xc3: {  	v17 =	vld [tilespmem:s26+$0xA200];
	v0 =	vadd.f32 v21, v0  }
0xc4: {  	v1 =	vadd.f32 v16, v1;
	v16 =	vld [tilespmem:s26+$0xA280]  }
0xc5: {  	v2 =	vadd.f32 v20, v2;
	v20 =	vld [tilespmem:s26+$0xA300]  }
.Ltmp4:
0xc6: {  	v3 =	vadd.f32 v19, v3;
	v19 =	vld [tilespmem:s26+$0xC800];
	(pc) =	sbr.rel @p1 .LBB2_6-.Ltmp4, $4  }
0xc7: {  	v4 =	vadd.f32 v18, v4;
	v18 =	vld [tilespmem:s26+$0xC880]  }
0xc8: {  	v5 =	vadd.f32 v17, v5;
	v17 =	vld [tilespmem:s26+$0xC900]  }
0xc9: {  	s28 =	sadd.s32 $0x1, s28;
	v8 =	vadd.f32 v16, v8;
	v16 =	vld [tilespmem:s26+$0xC980]  }
0xca: {  	s31 =	sand.u32 $0x7, s28;
	s30 =	sadd.s32 $0x10, s30;
	v13 =	vadd.f32 v20, v13;
	v20 =	vld [tilespmem:s26+$0xCA00]  }
0xcb: {  	s1 =	sshll.u32 s31, $0x4;
	v21 =	vld [tilespmem:s26+$0xCA80];
	s25 =	sadd.s32 $0x80, s25  }
0xcc: {  	v22 =	vld [tilespmem:s26+$0xCB00];
	s1 =	sadd.s32 s1, s25  }
0xcd: {  	s28 =	sand.u32 $0x70, s29;
	v23 =	vld [tilespmem:s26+$0xCB80];
	s25 =	sand.u32 $0x3C00, s25;
	s1 =	sor.u32 $0x380, s1  }
0xce: {  	s25 =	sor.u32 s28, s25;
	v24 =	vld [tilespmem:s1+$0xA000]  }
0xcf: {  	v25 =	vld [tilespmem:s25+$0xA000]  }
0xd0: {  	v26 =	vld [tilespmem:s25+$0xA080]  }
0xd1: {  	v27 =	vld [tilespmem:s25+$0xA100]  }
0xd2: {  	v28 =	vld [tilespmem:s25+$0xA180]  }
0xd3: {  	v29 =	vld [tilespmem:s25+$0xA200]  }
0xd4: {  	v30 =	vld [tilespmem:s25+$0xA280]  }
0xd5: {  	v31 =	vld [tilespmem:s25+$0xA300]  }
0xd6: {  	v32 =	vld [tilespmem:s25+$0xC800]  }
0xd7: {  	v33 =	vld [tilespmem:s25+$0xC880]  }
0xd8: {  	v34 =	vld [tilespmem:s25+$0xC900]  }
0xd9: {  	v35 =	vld [tilespmem:s25+$0xC980]  }
0xda: {  	v36 =	vld [tilespmem:s25+$0xCA00]  }
0xdb: {  	v37 =	vld [tilespmem:s25+$0xCA80]  }
0xdc: {  	v38 =	vld [tilespmem:s25+$0xCB00]  }
0xdd: {  	v39 =	vld [tilespmem:s25+$0xCB80];
	[tilespmem:s16], [sflag:$0x3] =	stream.strided.gather [hbm4b:s9+s13], $0x5000, s14, s13, $0x38  }
0xde: {  	s25 =	simm.s32 $0x0  }
0xdf: {  	v14 =	vadd.f32 v19, v14;
	v15 =	vadd.f32 v18, v15;
	_ =	swait.ge [sflag:s21], $0x5000;
	s26 =	sand.u32 $0x7, s25;
	s28 =	sand.u32 $0x3C00, s25  }
0xe0: {  	v11 =	vadd.f32 v17, v11;
	v12 =	vadd.f32 v16, v12;
	[sflag:s21] =	ssyncset.done $0x0;
	s1 =	sshll.u32 s26, $0x4;
	s26 =	sand.u32 $0x70, s25  }
0xe1: {  	v9 =	vadd.f32 v20, v9;
	v10 =	vadd.f32 v21, v10;
	[sflag:s21] =	ssyncadd.s32 $0xFFFFB000;
	s26 =	sor.u32 s26, s28  }
0xe2: {  	v6 =	vadd.f32 v22, v6;
	v7 =	vadd.f32 v23, v7;
	v17 =	vld [tilespmem:s26+$0xF000]  }
0xe3: {  	v20 =	vld [tilespmem:s26+$0xF080];
	v0 =	vadd.f32 v24, v0;
	v1 =	vadd.f32 v25, v1  }
0xe4: {  	v21 =	vld [tilespmem:s26+$0xF100];
	v2 =	vadd.f32 v26, v2;
	v3 =	vadd.f32 v27, v3  }
0xe5: {  	v22 =	vld [tilespmem:s26+$0xF180];
	v4 =	vadd.f32 v28, v4;
	v5 =	vadd.f32 v29, v5  }
0xe6: {  	s1 =	sadd.s32 $0x0, s1;
	v23 =	vld [tilespmem:s26+$0xF200];
	v8 =	vadd.f32 v30, v8;
	v13 =	vadd.f32 v31, v13  }
0xe7: {  	s1 =	sor.u32 $0x380, s1;
	v62 =	vld [tilespmem:s26+$0xF280];
	v14 =	vadd.f32 v32, v14;
	v15 =	vadd.f32 v33, v15  }
0xe8: {  	v16 =	vld [tilespmem:s1+$0xF000];
	v11 =	vadd.f32 v34, v11;
	v12 =	vadd.f32 v35, v12  }
0xe9: {  	v63 =	vld [tilespmem:s26+$0xF300];
	v9 =	vadd.f32 v36, v9;
	v10 =	vadd.f32 v37, v10  }
0xea: {  	v19 =	vld [tilespmem:s26+$0x11800];
	v6 =	vadd.f32 v38, v6;
	v7 =	vadd.f32 v39, v7  }
0xeb: {  	v18 =	vld [tilespmem:s26+$0x11880];
	v1 =	vadd.f32 v17, v1;
	v2 =	vadd.f32 v20, v2  }
0xec: {  	v3 =	vadd.f32 v21, v3;
	v17 =	vld [tilespmem:s26+$0x11900];
	v4 =	vadd.f32 v22, v4  }
0xed: {  	s28 =	simm.s32 $0x1;
	v5 =	vadd.f32 v23, v5;
	v0 =	vadd.f32 v16, v0;
	v16 =	vld [tilespmem:s26+$0x11980]  }
0xee: {  	s29 =	simm.s32 $0x10;
	s30 =	simm.s32 $0x20;
	s31 =	sand.u32 $0x7, s28;
	v8 =	vadd.f32 v62, v8;
	v13 =	vadd.f32 v63, v13;
	v20 =	vld [tilespmem:s26+$0x11A00]  }
.LBB2_8:
0xef: {  	p1 =	sne.s32 s30, $0x4F0;
	s1 =	sshll.u32 s31, $0x4;
	v14 =	vadd.f32 v19, v14;
	v19 =	vld [tilespmem:s26+$0x11A80];
	s25 =	sadd.s32 $0x80, s25  }
0xf0: {  	s29 =	sand.u32 $0x70, s29;
	s1 =	sadd.s32 s1, s25;
	s31 =	sand.u32 $0x3C00, s25;
	v15 =	vadd.f32 v18, v15;
	v18 =	vld [tilespmem:s26+$0x11B00]  }
0xf1: {  	s1 =	sor.u32 $0x380, s1;
	v11 =	vadd.f32 v17, v11;
	v17 =	vld [tilespmem:s26+$0x11B80];
	s26 =	sor.u32 s29, s31;
	s29 =	smov.u32 s30  }
0xf2: {  	v21 =	vld [tilespmem:s1+$0xF000];
	v12 =	vadd.f32 v16, v12  }
0xf3: {  	v16 =	vld [tilespmem:s26+$0xF000];
	v9 =	vadd.f32 v20, v9  }
0xf4: {  	v20 =	vld [tilespmem:s26+$0xF080];
	v10 =	vadd.f32 v19, v10  }
0xf5: {  	v19 =	vld [tilespmem:s26+$0xF100];
	v6 =	vadd.f32 v18, v6  }
0xf6: {  	v18 =	vld [tilespmem:s26+$0xF180];
	v7 =	vadd.f32 v17, v7  }
0xf7: {  	v17 =	vld [tilespmem:s26+$0xF200];
	v0 =	vadd.f32 v21, v0  }
0xf8: {  	v1 =	vadd.f32 v16, v1;
	v16 =	vld [tilespmem:s26+$0xF280]  }
0xf9: {  	v2 =	vadd.f32 v20, v2;
	v20 =	vld [tilespmem:s26+$0xF300]  }
.Ltmp5:
0xfa: {  	v3 =	vadd.f32 v19, v3;
	v19 =	vld [tilespmem:s26+$0x11800];
	(pc) =	sbr.rel @p1 .LBB2_8-.Ltmp5, $4  }
0xfb: {  	v4 =	vadd.f32 v18, v4;
	v18 =	vld [tilespmem:s26+$0x11880]  }
0xfc: {  	v5 =	vadd.f32 v17, v5;
	v17 =	vld [tilespmem:s26+$0x11900]  }
0xfd: {  	s28 =	sadd.s32 $0x1, s28;
	v8 =	vadd.f32 v16, v8;
	v16 =	vld [tilespmem:s26+$0x11980]  }
0xfe: {  	s31 =	sand.u32 $0x7, s28;
	s30 =	sadd.s32 $0x10, s30;
	v13 =	vadd.f32 v20, v13;
	v20 =	vld [tilespmem:s26+$0x11A00]  }
0xff: {  	s1 =	sshll.u32 s31, $0x4;
	v21 =	vld [tilespmem:s26+$0x11A80];
	s25 =	sadd.s32 $0x80, s25  }
0x100: {  	v22 =	vld [tilespmem:s26+$0x11B00];
	s1 =	sadd.s32 s1, s25  }
0x101: {  	s28 =	sand.u32 $0x70, s29;
	v23 =	vld [tilespmem:s26+$0x11B80];
	s25 =	sand.u32 $0x3C00, s25;
	s1 =	sor.u32 $0x380, s1  }
0x102: {  	s25 =	sor.u32 s28, s25;
	v24 =	vld [tilespmem:s1+$0xF000]  }
0x103: {  	v25 =	vld [tilespmem:s25+$0xF000]  }
0x104: {  	v26 =	vld [tilespmem:s25+$0xF080]  }
0x105: {  	v27 =	vld [tilespmem:s25+$0xF100]  }
0x106: {  	v28 =	vld [tilespmem:s25+$0xF180]  }
0x107: {  	v29 =	vld [tilespmem:s25+$0xF200]  }
0x108: {  	v30 =	vld [tilespmem:s25+$0xF280]  }
0x109: {  	v31 =	vld [tilespmem:s25+$0xF300]  }
0x10a: {  	v32 =	vld [tilespmem:s25+$0x11800]  }
0x10b: {  	v33 =	vld [tilespmem:s25+$0x11880]  }
0x10c: {  	v34 =	vld [tilespmem:s25+$0x11900]  }
0x10d: {  	v35 =	vld [tilespmem:s25+$0x11980]  }
0x10e: {  	v36 =	vld [tilespmem:s25+$0x11A00]  }
0x10f: {  	v37 =	vld [tilespmem:s25+$0x11A80]  }
0x110: {  	v38 =	vld [tilespmem:s25+$0x11B00]  }
0x111: {  	s26 =	simm.s32 @!p0 $0xF000;
	v39 =	vld [tilespmem:s25+$0x11B80];
	s1 =	simm.s32 @!p0 $0x2800;
	s25 =	simm.s32 @!p0 $0x271000  }
0x112: {  	[tilespmem:s26], [sflag:$0x4] =	stream.strided.gather @!p0 [hbm4b:s10+s1], $0x5000, s25, s1, $0x38;
	[tilespmem:$0x14800] =	vst v63  }
0x113: {  	s25 =	simm.s32 $0x0  }
0x114: {  	v14 =	vadd.f32 v19, v14;
	v15 =	vadd.f32 v18, v15;
	_ =	swait.ge [sflag:s18], $0x5000;
	s26 =	sand.u32 $0x7, s25;
	s28 =	sand.u32 $0x3C00, s25  }
0x115: {  	v11 =	vadd.f32 v17, v11;
	v12 =	vadd.f32 v16, v12;
	[sflag:s18] =	ssyncset.done $0x0;
	s1 =	sshll.u32 s26, $0x4;
	s26 =	sand.u32 $0x70, s25  }
0x116: {  	v9 =	vadd.f32 v20, v9;
	v10 =	vadd.f32 v21, v10;
	[sflag:s18] =	ssyncadd.s32 $0xFFFFB000;
	s26 =	sor.u32 s26, s28  }
0x117: {  	v6 =	vadd.f32 v22, v6;
	v7 =	vadd.f32 v23, v7;
	v17 =	vld [tilespmem:s26+$0x0]  }
0x118: {  	v0 =	vadd.f32 v24, v0;
	v1 =	vadd.f32 v25, v1;
	v20 =	vld [tilespmem:s26+$0x80]  }
0x119: {  	v2 =	vadd.f32 v26, v2;
	v3 =	vadd.f32 v27, v3;
	v21 =	vld [tilespmem:s26+$0x100]  }
0x11a: {  	v4 =	vadd.f32 v28, v4;
	v5 =	vadd.f32 v29, v5;
	v22 =	vld [tilespmem:s26+$0x180]  }
0x11b: {  	s1 =	sadd.s32 $0x0, s1;
	v8 =	vadd.f32 v30, v8;
	v13 =	vadd.f32 v31, v13;
	v23 =	vld [tilespmem:s26+$0x200]  }
0x11c: {  	s1 =	sor.u32 $0x380, s1;
	v14 =	vadd.f32 v32, v14;
	v15 =	vadd.f32 v33, v15;
	v62 =	vld [tilespmem:s26+$0x280]  }
0x11d: {  	v11 =	vadd.f32 v34, v11;
	v12 =	vadd.f32 v35, v12;
	v16 =	vld [tilespmem:s1+$0x0]  }
0x11e: {  	v9 =	vadd.f32 v36, v9;
	v10 =	vadd.f32 v37, v10;
	v63 =	vld [tilespmem:s26+$0x300]  }
0x11f: {  	v6 =	vadd.f32 v38, v6;
	v7 =	vadd.f32 v39, v7;
	v19 =	vld [tilespmem:s26+$0x2800]  }
0x120: {  	v18 =	vld [tilespmem:s26+$0x2880];
	v1 =	vadd.f32 v17, v1;
	v2 =	vadd.f32 v20, v2  }
0x121: {  	v3 =	vadd.f32 v21, v3;
	v17 =	vld [tilespmem:s26+$0x2900];
	v4 =	vadd.f32 v22, v4  }
0x122: {  	s28 =	simm.s32 $0x1;
	v5 =	vadd.f32 v23, v5;
	v0 =	vadd.f32 v16, v0;
	v16 =	vld [tilespmem:s26+$0x2980]  }
0x123: {  	s29 =	simm.s32 $0x10;
	s30 =	simm.s32 $0x20;
	s31 =	sand.u32 $0x7, s28;
	v8 =	vadd.f32 v62, v8;
	v13 =	vadd.f32 v63, v13;
	v20 =	vld [tilespmem:s26+$0x2A00]  }
.LBB2_10:
0x124: {  	p1 =	sne.s32 s30, $0x4F0;
	s1 =	sshll.u32 s31, $0x4;
	v14 =	vadd.f32 v19, v14;
	v19 =	vld [tilespmem:s26+$0x2A80];
	s25 =	sadd.s32 $0x80, s25  }
0x125: {  	s29 =	sand.u32 $0x70, s29;
	s1 =	sadd.s32 s1, s25;
	s31 =	sand.u32 $0x3C00, s25;
	v15 =	vadd.f32 v18, v15;
	v18 =	vld [tilespmem:s26+$0x2B00]  }
0x126: {  	s1 =	sor.u32 $0x380, s1;
	v11 =	vadd.f32 v17, v11;
	v17 =	vld [tilespmem:s26+$0x2B80];
	s26 =	sor.u32 s29, s31;
	s29 =	smov.u32 s30  }
0x127: {  	v21 =	vld [tilespmem:s1+$0x0];
	v12 =	vadd.f32 v16, v12  }
0x128: {  	v16 =	vld [tilespmem:s26+$0x0];
	v9 =	vadd.f32 v20, v9  }
0x129: {  	v20 =	vld [tilespmem:s26+$0x80];
	v10 =	vadd.f32 v19, v10  }
0x12a: {  	v19 =	vld [tilespmem:s26+$0x100];
	v6 =	vadd.f32 v18, v6  }
0x12b: {  	v18 =	vld [tilespmem:s26+$0x180];
	v7 =	vadd.f32 v17, v7  }
0x12c: {  	v17 =	vld [tilespmem:s26+$0x200];
	v0 =	vadd.f32 v21, v0  }
0x12d: {  	v1 =	vadd.f32 v16, v1;
	v16 =	vld [tilespmem:s26+$0x280]  }
0x12e: {  	v2 =	vadd.f32 v20, v2;
	v20 =	vld [tilespmem:s26+$0x300]  }
.Ltmp6:
0x12f: {  	v3 =	vadd.f32 v19, v3;
	v19 =	vld [tilespmem:s26+$0x2800];
	(pc) =	sbr.rel @p1 .LBB2_10-.Ltmp6, $4  }
0x130: {  	v4 =	vadd.f32 v18, v4;
	v18 =	vld [tilespmem:s26+$0x2880]  }
0x131: {  	v5 =	vadd.f32 v17, v5;
	v17 =	vld [tilespmem:s26+$0x2900]  }
0x132: {  	s28 =	sadd.s32 $0x1, s28;
	v8 =	vadd.f32 v16, v8;
	v16 =	vld [tilespmem:s26+$0x2980]  }
0x133: {  	s31 =	sand.u32 $0x7, s28;
	s30 =	sadd.s32 $0x10, s30;
	v13 =	vadd.f32 v20, v13;
	v20 =	vld [tilespmem:s26+$0x2A00]  }
0x134: {  	s1 =	sshll.u32 s31, $0x4;
	v21 =	vld [tilespmem:s26+$0x2A80];
	s25 =	sadd.s32 $0x80, s25  }
0x135: {  	v22 =	vld [tilespmem:s26+$0x2B00];
	s1 =	sadd.s32 s1, s25  }
0x136: {  	s28 =	sand.u32 $0x70, s29;
	v23 =	vld [tilespmem:s26+$0x2B80];
	s25 =	sand.u32 $0x3C00, s25;
	s1 =	sor.u32 $0x380, s1  }
0x137: {  	s25 =	sor.u32 s28, s25;
	v24 =	vld [tilespmem:s1+$0x0]  }
0x138: {  	v25 =	vld [tilespmem:s25+$0x0]  }
0x139: {  	v26 =	vld [tilespmem:s25+$0x80]  }
0x13a: {  	v27 =	vld [tilespmem:s25+$0x100]  }
0x13b: {  	v28 =	vld [tilespmem:s25+$0x180]  }
0x13c: {  	v29 =	vld [tilespmem:s25+$0x200]  }
0x13d: {  	v30 =	vld [tilespmem:s25+$0x280]  }
0x13e: {  	v31 =	vld [tilespmem:s25+$0x300]  }
0x13f: {  	v32 =	vld [tilespmem:s25+$0x2800]  }
0x140: {  	v33 =	vld [tilespmem:s25+$0x2880]  }
0x141: {  	v34 =	vld [tilespmem:s25+$0x2900]  }
0x142: {  	v35 =	vld [tilespmem:s25+$0x2980]  }
0x143: {  	v36 =	vld [tilespmem:s25+$0x2A00]  }
0x144: {  	v37 =	vld [tilespmem:s25+$0x2A80]  }
0x145: {  	v38 =	vld [tilespmem:s25+$0x2B00]  }
0x146: {  	v39 =	vld [tilespmem:s25+$0x2B80];
	s25 =	simm.s32 $0x0;
	_ =	swait.ge [sflag:s19], $0x5000  }
0x147: {  	v14 =	vadd.f32 v19, v14;
	v15 =	vadd.f32 v18, v15;
	s26 =	sand.u32 $0x7, s25;
	[sflag:s19] =	ssyncset.done $0x0  }
0x148: {  	v11 =	vadd.f32 v17, v11;
	v12 =	vadd.f32 v16, v12;
	s28 =	sand.u32 $0x3C00, s25;
	s1 =	sshll.u32 s26, $0x4;
	s26 =	sand.u32 $0x70, s25  }
0x149: {  	v9 =	vadd.f32 v20, v9;
	[sflag:s19] =	ssyncadd.s32 $0xFFFFB000;
	v10 =	vadd.f32 v21, v10;
	s26 =	sor.u32 s26, s28  }
0x14a: {  	v6 =	vadd.f32 v22, v6;
	v7 =	vadd.f32 v23, v7;
	v17 =	vld [tilespmem:s26+$0x5000]  }
0x14b: {  	v20 =	vld [tilespmem:s26+$0x5080];
	v0 =	vadd.f32 v24, v0;
	v1 =	vadd.f32 v25, v1  }
0x14c: {  	v21 =	vld [tilespmem:s26+$0x5100];
	v2 =	vadd.f32 v26, v2;
	v3 =	vadd.f32 v27, v3  }
0x14d: {  	v22 =	vld [tilespmem:s26+$0x5180];
	v4 =	vadd.f32 v28, v4;
	v5 =	vadd.f32 v29, v5  }
0x14e: {  	s1 =	sadd.s32 $0x0, s1;
	v23 =	vld [tilespmem:s26+$0x5200];
	v8 =	vadd.f32 v30, v8;
	v13 =	vadd.f32 v31, v13  }
0x14f: {  	s1 =	sor.u32 $0x380, s1;
	v62 =	vld [tilespmem:s26+$0x5280];
	v14 =	vadd.f32 v32, v14;
	v15 =	vadd.f32 v33, v15  }
0x150: {  	v16 =	vld [tilespmem:s1+$0x5000];
	v11 =	vadd.f32 v34, v11;
	v12 =	vadd.f32 v35, v12  }
0x151: {  	v63 =	vld [tilespmem:s26+$0x5300];
	v9 =	vadd.f32 v36, v9;
	v10 =	vadd.f32 v37, v10  }
0x152: {  	v19 =	vld [tilespmem:s26+$0x7800];
	v6 =	vadd.f32 v38, v6;
	v7 =	vadd.f32 v39, v7  }
0x153: {  	v18 =	vld [tilespmem:s26+$0x7880];
	v1 =	vadd.f32 v17, v1;
	v2 =	vadd.f32 v20, v2  }
0x154: {  	v3 =	vadd.f32 v21, v3;
	v17 =	vld [tilespmem:s26+$0x7900];
	v4 =	vadd.f32 v22, v4  }
0x155: {  	s28 =	simm.s32 $0x1;
	v5 =	vadd.f32 v23, v5;
	v0 =	vadd.f32 v16, v0;
	v16 =	vld [tilespmem:s26+$0x7980]  }
0x156: {  	s29 =	simm.s32 $0x10;
	s30 =	simm.s32 $0x20;
	s31 =	sand.u32 $0x7, s28;
	v8 =	vadd.f32 v62, v8;
	v13 =	vadd.f32 v63, v13;
	v20 =	vld [tilespmem:s26+$0x7A00]  }
.LBB2_12:
0x157: {  	p1 =	sne.s32 s30, $0x4F0;
	s1 =	sshll.u32 s31, $0x4;
	v14 =	vadd.f32 v19, v14;
	v19 =	vld [tilespmem:s26+$0x7A80];
	s25 =	sadd.s32 $0x80, s25  }
0x158: {  	s29 =	sand.u32 $0x70, s29;
	s1 =	sadd.s32 s1, s25;
	s31 =	sand.u32 $0x3C00, s25;
	v15 =	vadd.f32 v18, v15;
	v18 =	vld [tilespmem:s26+$0x7B00]  }
0x159: {  	s1 =	sor.u32 $0x380, s1;
	v11 =	vadd.f32 v17, v11;
	v17 =	vld [tilespmem:s26+$0x7B80];
	s26 =	sor.u32 s29, s31;
	s29 =	smov.u32 s30  }
0x15a: {  	v21 =	vld [tilespmem:s1+$0x5000];
	v12 =	vadd.f32 v16, v12  }
0x15b: {  	v16 =	vld [tilespmem:s26+$0x5000];
	v9 =	vadd.f32 v20, v9  }
0x15c: {  	v20 =	vld [tilespmem:s26+$0x5080];
	v10 =	vadd.f32 v19, v10  }
0x15d: {  	v19 =	vld [tilespmem:s26+$0x5100];
	v6 =	vadd.f32 v18, v6  }
0x15e: {  	v18 =	vld [tilespmem:s26+$0x5180];
	v7 =	vadd.f32 v17, v7  }
0x15f: {  	v17 =	vld [tilespmem:s26+$0x5200];
	v0 =	vadd.f32 v21, v0  }
0x160: {  	v1 =	vadd.f32 v16, v1;
	v16 =	vld [tilespmem:s26+$0x5280]  }
0x161: {  	v2 =	vadd.f32 v20, v2;
	v20 =	vld [tilespmem:s26+$0x5300]  }
.Ltmp7:
0x162: {  	v3 =	vadd.f32 v19, v3;
	v19 =	vld [tilespmem:s26+$0x7800];
	(pc) =	sbr.rel @p1 .LBB2_12-.Ltmp7, $4  }
0x163: {  	v4 =	vadd.f32 v18, v4;
	v18 =	vld [tilespmem:s26+$0x7880]  }
0x164: {  	v5 =	vadd.f32 v17, v5;
	v17 =	vld [tilespmem:s26+$0x7900]  }
0x165: {  	s28 =	sadd.s32 $0x1, s28;
	v8 =	vadd.f32 v16, v8;
	v16 =	vld [tilespmem:s26+$0x7980]  }
0x166: {  	s31 =	sand.u32 $0x7, s28;
	s30 =	sadd.s32 $0x10, s30;
	v13 =	vadd.f32 v20, v13;
	v20 =	vld [tilespmem:s26+$0x7A00]  }
0x167: {  	s1 =	sshll.u32 s31, $0x4;
	v21 =	vld [tilespmem:s26+$0x7A80];
	s25 =	sadd.s32 $0x80, s25  }
0x168: {  	v22 =	vld [tilespmem:s26+$0x7B00];
	s1 =	sadd.s32 s1, s25  }
0x169: {  	s28 =	sand.u32 $0x70, s29;
	v23 =	vld [tilespmem:s26+$0x7B80];
	s25 =	sand.u32 $0x3C00, s25;
	s1 =	sor.u32 $0x380, s1  }
0x16a: {  	s25 =	sor.u32 s28, s25;
	v24 =	vld [tilespmem:s1+$0x5000]  }
0x16b: {  	v25 =	vld [tilespmem:s25+$0x5000]  }
0x16c: {  	v26 =	vld [tilespmem:s25+$0x5080]  }
0x16d: {  	v27 =	vld [tilespmem:s25+$0x5100]  }
0x16e: {  	v28 =	vld [tilespmem:s25+$0x5180]  }
0x16f: {  	v29 =	vld [tilespmem:s25+$0x5200]  }
0x170: {  	v30 =	vld [tilespmem:s25+$0x5280]  }
0x171: {  	v31 =	vld [tilespmem:s25+$0x5300]  }
0x172: {  	v32 =	vld [tilespmem:s25+$0x7800]  }
0x173: {  	v33 =	vld [tilespmem:s25+$0x7880]  }
0x174: {  	v34 =	vld [tilespmem:s25+$0x7900]  }
0x175: {  	v35 =	vld [tilespmem:s25+$0x7980]  }
0x176: {  	v36 =	vld [tilespmem:s25+$0x7A00]  }
0x177: {  	v37 =	vld [tilespmem:s25+$0x7A80]  }
0x178: {  	v38 =	vld [tilespmem:s25+$0x7B00]  }
0x179: {  	v39 =	vld [tilespmem:s25+$0x7B80];
	s25 =	simm.s32 $0x0;
	_ =	swait.ge [sflag:s20], $0x5000  }
0x17a: {  	v14 =	vadd.f32 v19, v14;
	v15 =	vadd.f32 v18, v15;
	s26 =	sand.u32 $0x7, s25;
	[sflag:s20] =	ssyncset.done $0x0  }
0x17b: {  	v11 =	vadd.f32 v17, v11;
	v12 =	vadd.f32 v16, v12;
	s28 =	sand.u32 $0x3C00, s25;
	s1 =	sshll.u32 s26, $0x4;
	s26 =	sand.u32 $0x70, s25  }
0x17c: {  	v9 =	vadd.f32 v20, v9;
	[sflag:s20] =	ssyncadd.s32 $0xFFFFB000;
	v10 =	vadd.f32 v21, v10;
	s26 =	sor.u32 s26, s28  }
0x17d: {  	v6 =	vadd.f32 v22, v6;
	v7 =	vadd.f32 v23, v7;
	v20 =	vld [tilespmem:s26+$0xA000]  }
0x17e: {  	v23 =	vld [tilespmem:s26+$0xA080];
	v17 =	vadd.f32 v24, v0;
	v18 =	vadd.f32 v25, v1  }
0x17f: {  	s1 =	sadd.s32 $0x0, s1;
	v60 =	vld [tilespmem:s26+$0xA100];
	v21 =	vadd.f32 v26, v2;
	v22 =	vadd.f32 v27, v3  }
0x180: {  	s1 =	sor.u32 $0x380, s1;
	v63 =	vld [tilespmem:s26+$0xA300];
	v58 =	vadd.f32 v28, v4;
	v59 =	vadd.f32 v29, v5  }
0x181: {  	v16 =	vld [tilespmem:s1+$0xA000];
	v61 =	vadd.f32 v30, v8;
	v62 =	vadd.f32 v31, v13  }
0x182: {  	v13 =	vld [tilespmem:s26+$0xA180];
	v0 =	vadd.f32 v32, v14;
	v1 =	vadd.f32 v33, v15  }
0x183: {  	v14 =	vld [tilespmem:s26+$0xA200];
	v2 =	vadd.f32 v34, v11;
	v3 =	vadd.f32 v35, v12  }
0x184: {  	v15 =	vld [tilespmem:s26+$0xA280];
	v4 =	vadd.f32 v36, v9;
	v5 =	vadd.f32 v37, v10  }
0x185: {  	v19 =	vld [tilespmem:s26+$0xC800];
	v6 =	vadd.f32 v38, v6;
	v7 =	vadd.f32 v39, v7  }
0x186: {  	v9 =	vadd.f32 v20, v18;
	v8 =	vadd.f32 v16, v17;
	v17 =	vld [tilespmem:s26+$0xC880]  }
0x187: {  	v10 =	vadd.f32 v23, v21;
	v11 =	vadd.f32 v60, v22;
	v18 =	vld [tilespmem:s26+$0xC900]  }
0x188: {  	s28 =	simm.s32 $0x1;
	v12 =	vadd.f32 v13, v58;
	v13 =	vadd.f32 v14, v59;
	v16 =	vld [tilespmem:s26+$0xC980]  }
0x189: {  	s29 =	simm.s32 $0x10;
	s30 =	simm.s32 $0x20;
	s31 =	sand.u32 $0x7, s28;
	v20 =	vld [tilespmem:s26+$0xCA00];
	v14 =	vadd.f32 v15, v61;
	v15 =	vadd.f32 v63, v62  }
.LBB2_14:
0x18a: {  	p1 =	sne.s32 s30, $0x4F0;
	s1 =	sshll.u32 s31, $0x4;
	v0 =	vadd.f32 v19, v0;
	v19 =	vld [tilespmem:s26+$0xCA80];
	s25 =	sadd.s32 $0x80, s25  }
0x18b: {  	s29 =	sand.u32 $0x70, s29;
	s1 =	sadd.s32 s1, s25;
	s31 =	sand.u32 $0x3C00, s25;
	v1 =	vadd.f32 v17, v1;
	v17 =	vld [tilespmem:s26+$0xCB00]  }
0x18c: {  	s1 =	sor.u32 $0x380, s1;
	v2 =	vadd.f32 v18, v2;
	v18 =	vld [tilespmem:s26+$0xCB80];
	s26 =	sor.u32 s29, s31;
	s29 =	smov.u32 s30  }
0x18d: {  	v21 =	vld [tilespmem:s1+$0xA000];
	v3 =	vadd.f32 v16, v3  }
0x18e: {  	v16 =	vld [tilespmem:s26+$0xA000];
	v4 =	vadd.f32 v20, v4  }
0x18f: {  	v20 =	vld [tilespmem:s26+$0xA080];
	v5 =	vadd.f32 v19, v5  }
0x190: {  	v19 =	vld [tilespmem:s26+$0xA100];
	v6 =	vadd.f32 v17, v6  }
0x191: {  	v17 =	vld [tilespmem:s26+$0xA180];
	v7 =	vadd.f32 v18, v7  }
0x192: {  	v18 =	vld [tilespmem:s26+$0xA200];
	v8 =	vadd.f32 v21, v8  }
0x193: {  	v9 =	vadd.f32 v16, v9;
	v16 =	vld [tilespmem:s26+$0xA280]  }
0x194: {  	v10 =	vadd.f32 v20, v10;
	v20 =	vld [tilespmem:s26+$0xA300]  }
.Ltmp8:
0x195: {  	v11 =	vadd.f32 v19, v11;
	v19 =	vld [tilespmem:s26+$0xC800];
	(pc) =	sbr.rel @p1 .LBB2_14-.Ltmp8, $4  }
0x196: {  	v12 =	vadd.f32 v17, v12;
	v17 =	vld [tilespmem:s26+$0xC880]  }
0x197: {  	v13 =	vadd.f32 v18, v13;
	v18 =	vld [tilespmem:s26+$0xC900]  }
0x198: {  	s28 =	sadd.s32 $0x1, s28;
	v14 =	vadd.f32 v16, v14;
	v16 =	vld [tilespmem:s26+$0xC980]  }
0x199: {  	s31 =	sand.u32 $0x7, s28;
	s30 =	sadd.s32 $0x10, s30;
	v15 =	vadd.f32 v20, v15;
	v20 =	vld [tilespmem:s26+$0xCA00]  }
0x19a: {  	s1 =	sshll.u32 s31, $0x4;
	v21 =	vld [tilespmem:s26+$0xCA80];
	s25 =	sadd.s32 $0x80, s25  }
0x19b: {  	v22 =	vld [tilespmem:s26+$0xCB00];
	s1 =	sadd.s32 s1, s25  }
0x19c: {  	s28 =	sand.u32 $0x70, s29;
	v23 =	vld [tilespmem:s26+$0xCB80];
	s25 =	sand.u32 $0x3C00, s25;
	s1 =	sor.u32 $0x380, s1  }
0x19d: {  	s25 =	sor.u32 s28, s25;
	v24 =	vld [tilespmem:s1+$0xA000]  }
0x19e: {  	v25 =	vld [tilespmem:s25+$0xA000]  }
0x19f: {  	v26 =	vld [tilespmem:s25+$0xA080]  }
0x1a0: {  	v27 =	vld [tilespmem:s25+$0xA100]  }
0x1a1: {  	v28 =	vld [tilespmem:s25+$0xA180]  }
0x1a2: {  	v29 =	vld [tilespmem:s25+$0xA200]  }
0x1a3: {  	v30 =	vld [tilespmem:s25+$0xA280]  }
0x1a4: {  	v31 =	vld [tilespmem:s25+$0xA300]  }
0x1a5: {  	v32 =	vld [tilespmem:s25+$0xC800]  }
0x1a6: {  	v0 =	vadd.f32 v19, v0;
	v1 =	vadd.f32 v17, v1;
	v17 =	vld [tilespmem:s25+$0xC880]  }
0x1a7: {  	v2 =	vadd.f32 v18, v2;
	v3 =	vadd.f32 v16, v3;
	v16 =	vld [tilespmem:s25+$0xC900]  }
0x1a8: {  	v60 =	vld [tilespmem:s25+$0xCA00];
	v56 =	vadd.f32 v20, v4;
	v57 =	vadd.f32 v21, v5  }
0x1a9: {  	v61 =	vld [tilespmem:s25+$0xCA80];
	v58 =	vadd.f32 v22, v6;
	v59 =	vadd.f32 v23, v7  }
0x1aa: {  	v62 =	vld [tilespmem:s25+$0xCB00];
	v8 =	vadd.f32 v24, v8;
	v9 =	vadd.f32 v25, v9  }
0x1ab: {  	v63 =	vld [tilespmem:s25+$0xCB80];
	v10 =	vadd.f32 v26, v10;
	v11 =	vadd.f32 v27, v11  }
0x1ac: {  	v5 =	vld [tilespmem:s25+$0xC980];
	v12 =	vadd.f32 v28, v12;
	v13 =	vadd.f32 v29, v13  }
.Ltmp9:
0x1ad: {  	v14 =	vadd.f32 v30, v14;
	v15 =	vadd.f32 v31, v15;
	(pc) =	sbr.rel @p0 .LBB2_19-.Ltmp9, $4  }
0x1ae: {  	v6 =	vadd.f32 v32, v0;
	v7 =	vadd.f32 v17, v1  }
0x1af: {  	v4 =	vadd.f32 v16, v2;
	v2 =	vadd.f32 v60, v56  }
0x1b0: {  	v0 =	vadd.f32 v62, v58;
	v1 =	vadd.f32 v63, v59  }
0x1b1: {  	v5 =	vadd.f32 v5, v3;
	v3 =	vadd.f32 v61, v57  }
0x1b2: {  	s25 =	simm.s32 $0x0;
	_ =	swait.ge [sflag:s21], $0x5000  }
0x1b3: {  	[sflag:s21] =	ssyncset.done $0x0;
	s26 =	sand.u32 $0x70, s25;
	s28 =	sand.u32 $0xFFFFFC00, s25  }
0x1b4: {  	[sflag:s21] =	ssyncadd.s32 $0xFFFFB000;
	s26 =	sor.u32 s26, s28  }
0x1b5: {  	v17 =	vld [tilespmem:s26+$0xF000]  }
0x1b6: {  	v18 =	vld [tilespmem:s26+$0xF080]  }
0x1b7: {  	s1 =	sand.u32 $0x7, s25;
	v20 =	vld [tilespmem:s26+$0xF100]  }
0x1b8: {  	s1 =	sshll.u32 s1, $0x4;
	v21 =	vld [tilespmem:s26+$0xF180]  }
0x1b9: {  	s1 =	sadd.s32 $0x0, s1;
	v22 =	vld [tilespmem:s26+$0xF200]  }
0x1ba: {  	v23 =	vld [tilespmem:s26+$0xF280];
	s1 =	sor.u32 $0x380, s1  }
0x1bb: {  	v16 =	vld [tilespmem:s1+$0xF000]  }
0x1bc: {  	v24 =	vld [tilespmem:s26+$0xF300]  }
0x1bd: {  	v19 =	vld [tilespmem:s26+$0x11800]  }
0x1be: {  	v9 =	vadd.f32 v17, v9;
	v17 =	vld [tilespmem:s26+$0x11880];
	v10 =	vadd.f32 v18, v10  }
0x1bf: {  	v11 =	vadd.f32 v20, v11;
	v18 =	vld [tilespmem:s26+$0x11900];
	v12 =	vadd.f32 v21, v12  }
0x1c0: {  	s28 =	simm.s32 $0x1;
	v13 =	vadd.f32 v22, v13;
	v8 =	vadd.f32 v16, v8;
	v16 =	vld [tilespmem:s26+$0x11980]  }
0x1c1: {  	s29 =	simm.s32 $0x10;
	s30 =	simm.s32 $0x20;
	s31 =	sand.u32 $0x7, s28;
	v14 =	vadd.f32 v23, v14;
	v15 =	vadd.f32 v24, v15;
	v20 =	vld [tilespmem:s26+$0x11A00]  }
.LBB2_17:
0x1c2: {  	p1 =	sne.s32 s30, $0x4F0;
	s1 =	sshll.u32 s31, $0x4;
	v6 =	vadd.f32 v19, v6;
	v19 =	vld [tilespmem:s26+$0x11A80];
	s25 =	sadd.s32 $0x80, s25  }
0x1c3: {  	s29 =	sand.u32 $0x70, s29;
	v7 =	vadd.f32 v17, v7;
	s1 =	sadd.s32 s1, s25;
	s31 =	sand.u32 $0xFFFFFC00, s25;
	v17 =	vld [tilespmem:s26+$0x11B00]  }
0x1c4: {  	v4 =	vadd.f32 v18, v4;
	s1 =	sor.u32 $0x380, s1;
	v18 =	vld [tilespmem:s26+$0x11B80];
	s26 =	sor.u32 s29, s31;
	s29 =	smov.u32 s30  }
0x1c5: {  	v5 =	vadd.f32 v16, v5;
	v21 =	vld [tilespmem:s1+$0xF000]  }
0x1c6: {  	v2 =	vadd.f32 v20, v2;
	v16 =	vld [tilespmem:s26+$0xF000]  }
0x1c7: {  	v20 =	vld [tilespmem:s26+$0xF080];
	v3 =	vadd.f32 v19, v3  }
0x1c8: {  	v19 =	vld [tilespmem:s26+$0xF100];
	v0 =	vadd.f32 v17, v0  }
0x1c9: {  	v17 =	vld [tilespmem:s26+$0xF180];
	v1 =	vadd.f32 v18, v1  }
0x1ca: {  	v18 =	vld [tilespmem:s26+$0xF200];
	v8 =	vadd.f32 v21, v8  }
0x1cb: {  	v9 =	vadd.f32 v16, v9;
	v16 =	vld [tilespmem:s26+$0xF280]  }
0x1cc: {  	v10 =	vadd.f32 v20, v10;
	v20 =	vld [tilespmem:s26+$0xF300]  }
.Ltmp10:
0x1cd: {  	v11 =	vadd.f32 v19, v11;
	v19 =	vld [tilespmem:s26+$0x11800];
	(pc) =	sbr.rel @p1 .LBB2_17-.Ltmp10, $4  }
0x1ce: {  	v12 =	vadd.f32 v17, v12;
	v17 =	vld [tilespmem:s26+$0x11880]  }
0x1cf: {  	v13 =	vadd.f32 v18, v13;
	v18 =	vld [tilespmem:s26+$0x11900]  }
0x1d0: {  	s28 =	sadd.s32 $0x1, s28;
	v14 =	vadd.f32 v16, v14;
	v16 =	vld [tilespmem:s26+$0x11980]  }
0x1d1: {  	s31 =	sand.u32 $0x7, s28;
	s30 =	sadd.s32 $0x10, s30;
	v15 =	vadd.f32 v20, v15;
	v20 =	vld [tilespmem:s26+$0x11A00]  }
.Ltmp11:
0x1d2: {  	_ = 	snop;
	(pc) =	sbr.rel .LBB2_18-.Ltmp11, $1  }
0x1d3: {  	_ =	sdelay $0x3  }
.LBB2_20:
0x1d4: {  	_ =	sfence.sel $0x180000  }
0x1d5: {  	[bflag:$0x0] =	sbarrier.arrive $0xFFFF  }
0x1d6: {  	_ =	strace $0x90000047  }
0x1d7: {  	[bflag:$0x2] =	sbarrier.arrive $0xFFFF  }
0x1d8: {  	p0 =	sne.s32 s0, $0x0;
	s0 =	rddreg [dreg:$0x2]  }
0x1d9: {  	s0 =	sadd.s32 @!p0 $0x100000, s0  }
0x1da: {  	[sflag:s0] =	ssyncadd.tile.s32 @!p0 $0x1;
	_ =	shalt  }
.Lfunc_end2:
_tile_overlayer_lowered:
.L_overlay_start_2:
0x1db: {  	(tag) =	ssettag $0x2  }
0x1dc: {  	s0 =	rddreg [dreg:$0x0];
	s2 =	stileid.u32  }
0x1dd: {  	s1 =	rddreg [dreg:$0x1];
	p0 =	sne.s32 s2, $0x0  }
0x1de: {  	s3 =	rddreg [dreg:$0x2];
	[bflag:$0x3] =	sbarrier.arrive $0xFFFF;
	s2 =	simm.s32 @!p0 $0x1C05  }
0x1df: {  	[timem:s3], [sflag:s2] =	dma.local @!p0 [hbm:s0], s1  }
0x1e0: {  	s0 =	simm.s32 @!p0 $0x5  }
0x1e1: {  	_ =	swait.ge @!p0 [sflag:s0], s1  }
0x1e2: {  	s1 =	ssub.s32 @!p0 $0x0, s1;
	[sflag:s0] =	ssyncset.done @!p0 $0x0  }
0x1e3: {  	[sflag:s0] =	ssyncadd.s32 @!p0 s1  }
0x1e4: {  	[bflag:$0x3] =	sbarrier.arrive $0xFFFF  }
0x1e5: {  	_ =	shalt  }

</sc_bundles>
